<compile_context>
chip_gen: v7x
topology: tpu7x:2x2x1
jax: 0.10.2.dev20260603
libtpu: 0.0.44.dev20260713+nightly
codegen_flags: <defaults>
</compile_context>

<pallas_src>
import functools

import jax
import jax.numpy as jnp
from jax import lax
from jax.experimental import pallas as pl
from jax.experimental.pallas import tpu as pltpu
from jax.experimental.pallas import tpu_sc as plsc

MAX_POS = 8192
N_EMBD = 1024
BATCH = 4
SEQ = 8192

_INFO = plsc.get_sparse_core_info()
_NC = _INFO.num_cores
_NS = _INFO.num_subcores
_NW = _NC * _NS
_B = BATCH * SEQ
_C = 8
_NBUF = 8


def _sc_gather(idx_flat, table, n_rows):
    per_w = n_rows // _NW
    n_chunks = per_w // _C
    mesh = plsc.VectorSubcoreMesh(core_axis_name="c", subcore_axis_name="s")

    @functools.partial(
        pl.kernel,
        mesh=mesh,
        out_type=jax.ShapeDtypeStruct((n_rows, N_EMBD), jnp.float32),
        scratch_types=[
            pltpu.VMEM((per_w,), jnp.int32),
            pltpu.VMEM((_NBUF, _C, N_EMBD), jnp.float32),
            pltpu.SemaphoreType.DMA((_NBUF,)),
            pltpu.SemaphoreType.DMA((_NBUF,)),
        ],
    )
    def k(idx_hbm, table_hbm, out_hbm, idx_v, rows_v, gsem, wsem):
        wid = lax.axis_index("s") * _NC + lax.axis_index("c")
        base = wid * per_w
        pltpu.sync_copy(idx_hbm.at[pl.ds(base, per_w)], idx_v)

        def start_gather(i, b):
            pltpu.async_copy(
                table_hbm.at[idx_v.at[pl.ds(i * _C, _C)]],
                rows_v.at[b],
                gsem.at[b],
            )

        def wait_gather(i, b):
            pltpu.make_async_copy(
                table_hbm.at[idx_v.at[pl.ds(i * _C, _C)]],
                rows_v.at[b],
                gsem.at[b],
            ).wait()

        def start_write(i, b):
            pltpu.async_copy(
                rows_v.at[b],
                out_hbm.at[pl.ds(base + i * _C, _C)],
                wsem.at[b],
            )

        def wait_write(i, b):
            pltpu.make_async_copy(
                rows_v.at[b],
                out_hbm.at[pl.ds(base + i * _C, _C)],
                wsem.at[b],
            ).wait()

        for b in range(_NBUF):
            start_gather(b, b)

        def body(g, carry):
            for b in range(_NBUF):
                i = g * _NBUF + b
                wait_gather(i, b)
                start_write(i, b)
                wait_write(i, b)
                start_gather(i + _NBUF, b)
            return carry

        lax.fori_loop(0, (n_chunks - _NBUF) // _NBUF, body, 0)

        tail = n_chunks - _NBUF
        for b in range(_NBUF):
            wait_gather(tail + b, b)
            start_write(tail + b, b)
        for b in range(_NBUF):
            wait_write(tail + b, b)

    return k(idx_flat, table)


def kernel(position_ids, table):
    idx_flat = position_ids.reshape(_B).astype(jnp.int32)
    out = _sc_gather(idx_flat, table, _B)
    return out.reshape(BATCH, SEQ, N_EMBD)

# --- scband reference (transcript-rebuilt; emitter-appended) ---
"""Pipeline reference for scband-position-embeddings-36996848287858 (READ-ONLY COPY).

The authoritative reference and input builder live on the scoring server;
editing this copy changes nothing except your own understanding.
"""

import jax, jax.numpy as jnp
import numpy as np

MAX_POS = 8192
N_EMBD = 1024
BATCH = 4
SEQ = 8192

def setup_inputs(seed: int = 0) -> dict:
    key = jax.random.key(seed)
    k_idx, k_tab = jax.random.split(key)
    position_ids = jax.random.randint(k_idx, (BATCH, SEQ), 0, MAX_POS, dtype=jnp.int64 if jax.config.jax_enable_x64 else jnp.int32)
    table = jax.random.normal(k_tab, (MAX_POS, N_EMBD), dtype=jnp.float32) * 0.02
    return {"position_ids": position_ids, "table": table}

def reference(position_ids, table):
    # PositionEmbeddings.forward: dropout(embedding(position_ids)); dropout p=0.0 -> identity
    out = jnp.take(table, position_ids, axis=0)
    return out

if __name__ == "__main__":
    import jax
    _d = setup_inputs()
    print(jax.jit(kernel)(*tuple(_d.values())))

</pallas_src>

<mosaic_0001>
#map = affine_map<(d0, d1) -> (0)>
#map1 = affine_map<(d0, d1) -> (0, 0)>
module attributes {stable_mosaic.version = 14 : i64} {
  func.func @k(%arg0: i32, %arg1: i32, %arg2: memref<32768xi32, #tpu.memory_space<hbm>>, %arg3: memref<8192x1024xf32, #tpu.memory_space<hbm>>, %arg4: memref<32768x1024xf32, #tpu.memory_space<hbm>>, %arg5: memref<1024xi32, #tpu.memory_space<vmem>>, %arg6: memref<8x8x1024xf32, #tpu.memory_space<vmem>>, %arg7: memref<8x!tpu.dma_semaphore, #tpu.memory_space<semaphore_mem>>, %arg8: memref<8x!tpu.dma_semaphore, #tpu.memory_space<semaphore_mem>>) attributes {dimension_semantics = [#tpu.dimension_semantics<core_parallel>, #tpu.dimension_semantics<subcore_parallel>], iteration_bounds = array<i64: 2, 16>, scalar_prefetch = 0 : i64, scratch_operands = 4 : i64, tpu.core_type = #tpu.core_type<sc_vector_subcore>, window_params = [{transform_indices = #map}, {transform_indices = #map1}, {transform_indices = #map1}]} {
    %mul3A = arith.constant 2 : i32
    %mul3A_0 = arith.muli %arg1, %mul3A : i32
    %add3A = arith.addi %mul3A_0, %arg0 : i32
    %mul3A_1 = arith.constant 1024 : i32
    %mul3A_2 = arith.muli %add3A, %mul3A_1 : i32
    "tpu.region"() ({
      %run_scoped3A = tpu.sem_alloc : memref<!tpu.dma_semaphore, #tpu.memory_space<semaphore_mem>>
      %dma_start3A_502 = tpu.memref_slice %arg2[%mul3A_2] : memref<32768xi32, #tpu.memory_space<hbm>> -> memref<1024xi32, #tpu.memory_space<hbm>>
      %dma_start3A_503 = tpu.memref_slice %arg2[%mul3A_2] : memref<32768xi32, #tpu.memory_space<hbm>> -> memref<1024xi32, #tpu.memory_space<hbm>>
      tpu.enqueue_dma source(%dma_start3A_503 : memref<1024xi32, #tpu.memory_space<hbm>>) target(%arg5 : memref<1024xi32, #tpu.memory_space<vmem>>) target_semaphore(%run_scoped3A : memref<!tpu.dma_semaphore, #tpu.memory_space<semaphore_mem>>)
      %dma_wait3A_504 = tpu.memref_slice %arg2[%mul3A_2] : memref<32768xi32, #tpu.memory_space<hbm>> -> memref<1024xi32, #tpu.memory_space<hbm>>
      %dma_wait3A_505 = tpu.memref_slice %arg2[%mul3A_2] : memref<32768xi32, #tpu.memory_space<hbm>> -> memref<1024xi32, #tpu.memory_space<hbm>>
      tpu.wait_dma2 semaphore(%run_scoped3A : memref<!tpu.dma_semaphore, #tpu.memory_space<semaphore_mem>>) src(%dma_wait3A_505 : memref<1024xi32, #tpu.memory_space<hbm>>) dst(%arg5 : memref<1024xi32, #tpu.memory_space<vmem>>)
      tpu.yield
    }) : () -> ()
    %dma_start3A = arith.constant 0 : i32
    %dma_start3A_3 = arith.constant 0 : i32
    %dma_start3A_4 = arith.constant 0 : i32
    %dma_start3A_5 = arith.constant 0 : i32
    %dma_start3A_6 = tpu.memref_slice %arg6[%dma_start3A, %dma_start3A_4, %dma_start3A_5] : memref<8x8x1024xf32, #tpu.memory_space<vmem>> -> memref<1x8x1024xf32, #tpu.memory_space<vmem>>
    %dma_start3A_7 = tpu.memref_squeeze %dma_start3A_6 : memref<1x8x1024xf32, #tpu.memory_space<vmem>> -> memref<8x1024xf32, #tpu.memory_space<vmem>>
    %dma_start3A_8 = arith.constant 0 : i32
    %dma_start3A_9 = tpu.memref_slice %arg5[%dma_start3A_8] : memref<1024xi32, #tpu.memory_space<vmem>> -> memref<8xi32, #tpu.memory_space<vmem>>
    %dma_start3A_10 = arith.constant 0 : i32
    %dma_start3A_11 = arith.constant 0 : i32
    %dma_start3A_12 = tpu.memref_slice %arg3[%dma_start3A_10, %dma_start3A_11] : memref<8192x1024xf32, #tpu.memory_space<hbm>> -> memref<8192x1024xf32, #tpu.memory_space<hbm>>
    %dma_start3A_13 = tpu.memref_slice %arg7[%dma_start3A_3] : memref<8x!tpu.dma_semaphore, #tpu.memory_space<semaphore_mem>> -> memref<1x!tpu.dma_semaphore, #tpu.memory_space<semaphore_mem>>
    %dma_start3A_14 = tpu.memref_squeeze %dma_start3A_13 : memref<1x!tpu.dma_semaphore, #tpu.memory_space<semaphore_mem>> -> memref<!tpu.dma_semaphore, #tpu.memory_space<semaphore_mem>>
    tpu.enqueue_indirect_dma source(%dma_start3A_12 : memref<8192x1024xf32, #tpu.memory_space<hbm>>) target(%dma_start3A_7 : memref<8x1024xf32, #tpu.memory_space<vmem>>) offsets(%dma_start3A_9 : memref<8xi32, #tpu.memory_space<vmem>>) semaphore(%dma_start3A_14 : memref<!tpu.dma_semaphore, #tpu.memory_space<semaphore_mem>>)
    %dma_start3A_15 = arith.constant 1 : i32
    %dma_start3A_16 = arith.constant 1 : i32
    %dma_start3A_17 = arith.constant 0 : i32
    %dma_start3A_18 = arith.constant 0 : i32
    %dma_start3A_19 = tpu.memref_slice %arg6[%dma_start3A_15, %dma_start3A_17, %dma_start3A_18] : memref<8x8x1024xf32, #tpu.memory_space<vmem>> -> memref<1x8x1024xf32, #tpu.memory_space<vmem>>
    %dma_start3A_20 = tpu.memref_squeeze %dma_start3A_19 : memref<1x8x1024xf32, #tpu.memory_space<vmem>> -> memref<8x1024xf32, #tpu.memory_space<vmem>>
    %dma_start3A_21 = arith.constant 8 : i32
    %dma_start3A_22 = tpu.memref_slice %arg5[%dma_start3A_21] : memref<1024xi32, #tpu.memory_space<vmem>> -> memref<8xi32, #tpu.memory_space<vmem>>
    %dma_start3A_23 = arith.constant 0 : i32
    %dma_start3A_24 = arith.constant 0 : i32
    %dma_start3A_25 = tpu.memref_slice %arg3[%dma_start3A_23, %dma_start3A_24] : memref<8192x1024xf32, #tpu.memory_space<hbm>> -> memref<8192x1024xf32, #tpu.memory_space<hbm>>
    %dma_start3A_26 = tpu.memref_slice %arg7[%dma_start3A_16] : memref<8x!tpu.dma_semaphore, #tpu.memory_space<semaphore_mem>> -> memref<1x!tpu.dma_semaphore, #tpu.memory_space<semaphore_mem>>
    %dma_start3A_27 = tpu.memref_squeeze %dma_start3A_26 : memref<1x!tpu.dma_semaphore, #tpu.memory_space<semaphore_mem>> -> memref<!tpu.dma_semaphore, #tpu.memory_space<semaphore_mem>>
    tpu.enqueue_indirect_dma source(%dma_start3A_25 : memref<8192x1024xf32, #tpu.memory_space<hbm>>) target(%dma_start3A_20 : memref<8x1024xf32, #tpu.memory_space<vmem>>) offsets(%dma_start3A_22 : memref<8xi32, #tpu.memory_space<vmem>>) semaphore(%dma_start3A_27 : memref<!tpu.dma_semaphore, #tpu.memory_space<semaphore_mem>>)
    %dma_start3A_28 = arith.constant 2 : i32
    %dma_start3A_29 = arith.constant 2 : i32
    %dma_start3A_30 = arith.constant 0 : i32
    %dma_start3A_31 = arith.constant 0 : i32
    %dma_start3A_32 = tpu.memref_slice %arg6[%dma_start3A_28, %dma_start3A_30, %dma_start3A_31] : memref<8x8x1024xf32, #tpu.memory_space<vmem>> -> memref<1x8x1024xf32, #tpu.memory_space<vmem>>
    %dma_start3A_33 = tpu.memref_squeeze %dma_start3A_32 : memref<1x8x1024xf32, #tpu.memory_space<vmem>> -> memref<8x1024xf32, #tpu.memory_space<vmem>>
    %dma_start3A_34 = arith.constant 16 : i32
    %dma_start3A_35 = tpu.memref_slice %arg5[%dma_start3A_34] : memref<1024xi32, #tpu.memory_space<vmem>> -> memref<8xi32, #tpu.memory_space<vmem>>
    %dma_start3A_36 = arith.constant 0 : i32
    %dma_start3A_37 = arith.constant 0 : i32
    %dma_start3A_38 = tpu.memref_slice %arg3[%dma_start3A_36, %dma_start3A_37] : memref<8192x1024xf32, #tpu.memory_space<hbm>> -> memref<8192x1024xf32, #tpu.memory_space<hbm>>
    %dma_start3A_39 = tpu.memref_slice %arg7[%dma_start3A_29] : memref<8x!tpu.dma_semaphore, #tpu.memory_space<semaphore_mem>> -> memref<1x!tpu.dma_semaphore, #tpu.memory_space<semaphore_mem>>
    %dma_start3A_40 = tpu.memref_squeeze %dma_start3A_39 : memref<1x!tpu.dma_semaphore, #tpu.memory_space<semaphore_mem>> -> memref<!tpu.dma_semaphore, #tpu.memory_space<semaphore_mem>>
    tpu.enqueue_indirect_dma source(%dma_start3A_38 : memref<8192x1024xf32, #tpu.memory_space<hbm>>) target(%dma_start3A_33 : memref<8x1024xf32, #tpu.memory_space<vmem>>) offsets(%dma_start3A_35 : memref<8xi32, #tpu.memory_space<vmem>>) semaphore(%dma_start3A_40 : memref<!tpu.dma_semaphore, #tpu.memory_space<semaphore_mem>>)
    %dma_start3A_41 = arith.constant 3 : i32
    %dma_start3A_42 = arith.constant 3 : i32
    %dma_start3A_43 = arith.constant 0 : i32
    %dma_start3A_44 = arith.constant 0 : i32
    %dma_start3A_45 = tpu.memref_slice %arg6[%dma_start3A_41, %dma_start3A_43, %dma_start3A_44] : memref<8x8x1024xf32, #tpu.memory_space<vmem>> -> memref<1x8x1024xf32, #tpu.memory_space<vmem>>
    %dma_start3A_46 = tpu.memref_squeeze %dma_start3A_45 : memref<1x8x1024xf32, #tpu.memory_space<vmem>> -> memref<8x1024xf32, #tpu.memory_space<vmem>>
    %dma_start3A_47 = arith.constant 24 : i32
    %dma_start3A_48 = tpu.memref_slice %arg5[%dma_start3A_47] : memref<1024xi32, #tpu.memory_space<vmem>> -> memref<8xi32, #tpu.memory_space<vmem>>
    %dma_start3A_49 = arith.constant 0 : i32
    %dma_start3A_50 = arith.constant 0 : i32
    %dma_start3A_51 = tpu.memref_slice %arg3[%dma_start3A_49, %dma_start3A_50] : memref<8192x1024xf32, #tpu.memory_space<hbm>> -> memref<8192x1024xf32, #tpu.memory_space<hbm>>
    %dma_start3A_52 = tpu.memref_slice %arg7[%dma_start3A_42] : memref<8x!tpu.dma_semaphore, #tpu.memory_space<semaphore_mem>> -> memref<1x!tpu.dma_semaphore, #tpu.memory_space<semaphore_mem>>
    %dma_start3A_53 = tpu.memref_squeeze %dma_start3A_52 : memref<1x!tpu.dma_semaphore, #tpu.memory_space<semaphore_mem>> -> memref<!tpu.dma_semaphore, #tpu.memory_space<semaphore_mem>>
    tpu.enqueue_indirect_dma source(%dma_start3A_51 : memref<8192x1024xf32, #tpu.memory_space<hbm>>) target(%dma_start3A_46 : memref<8x1024xf32, #tpu.memory_space<vmem>>) offsets(%dma_start3A_48 : memref<8xi32, #tpu.memory_space<vmem>>) semaphore(%dma_start3A_53 : memref<!tpu.dma_semaphore, #tpu.memory_space<semaphore_mem>>)
    %dma_start3A_54 = arith.constant 4 : i32
    %dma_start3A_55 = arith.constant 4 : i32
    %dma_start3A_56 = arith.constant 0 : i32
    %dma_start3A_57 = arith.constant 0 : i32
    %dma_start3A_58 = tpu.memref_slice %arg6[%dma_start3A_54, %dma_start3A_56, %dma_start3A_57] : memref<8x8x1024xf32, #tpu.memory_space<vmem>> -> memref<1x8x1024xf32, #tpu.memory_space<vmem>>
    %dma_start3A_59 = tpu.memref_squeeze %dma_start3A_58 : memref<1x8x1024xf32, #tpu.memory_space<vmem>> -> memref<8x1024xf32, #tpu.memory_space<vmem>>
    %dma_start3A_60 = arith.constant 32 : i32
    %dma_start3A_61 = tpu.memref_slice %arg5[%dma_start3A_60] : memref<1024xi32, #tpu.memory_space<vmem>> -> memref<8xi32, #tpu.memory_space<vmem>>
    %dma_start3A_62 = arith.constant 0 : i32
    %dma_start3A_63 = arith.constant 0 : i32
    %dma_start3A_64 = tpu.memref_slice %arg3[%dma_start3A_62, %dma_start3A_63] : memref<8192x1024xf32, #tpu.memory_space<hbm>> -> memref<8192x1024xf32, #tpu.memory_space<hbm>>
    %dma_start3A_65 = tpu.memref_slice %arg7[%dma_start3A_55] : memref<8x!tpu.dma_semaphore, #tpu.memory_space<semaphore_mem>> -> memref<1x!tpu.dma_semaphore, #tpu.memory_space<semaphore_mem>>
    %dma_start3A_66 = tpu.memref_squeeze %dma_start3A_65 : memref<1x!tpu.dma_semaphore, #tpu.memory_space<semaphore_mem>> -> memref<!tpu.dma_semaphore, #tpu.memory_space<semaphore_mem>>
    tpu.enqueue_indirect_dma source(%dma_start3A_64 : memref<8192x1024xf32, #tpu.memory_space<hbm>>) target(%dma_start3A_59 : memref<8x1024xf32, #tpu.memory_space<vmem>>) offsets(%dma_start3A_61 : memref<8xi32, #tpu.memory_space<vmem>>) semaphore(%dma_start3A_66 : memref<!tpu.dma_semaphore, #tpu.memory_space<semaphore_mem>>)
    %dma_start3A_67 = arith.constant 5 : i32
    %dma_start3A_68 = arith.constant 5 : i32
    %dma_start3A_69 = arith.constant 0 : i32
    %dma_start3A_70 = arith.constant 0 : i32
    %dma_start3A_71 = tpu.memref_slice %arg6[%dma_start3A_67, %dma_start3A_69, %dma_start3A_70] : memref<8x8x1024xf32, #tpu.memory_space<vmem>> -> memref<1x8x1024xf32, #tpu.memory_space<vmem>>
    %dma_start3A_72 = tpu.memref_squeeze %dma_start3A_71 : memref<1x8x1024xf32, #tpu.memory_space<vmem>> -> memref<8x1024xf32, #tpu.memory_space<vmem>>
    %dma_start3A_73 = arith.constant 40 : i32
    %dma_start3A_74 = tpu.memref_slice %arg5[%dma_start3A_73] : memref<1024xi32, #tpu.memory_space<vmem>> -> memref<8xi32, #tpu.memory_space<vmem>>
    %dma_start3A_75 = arith.constant 0 : i32
    %dma_start3A_76 = arith.constant 0 : i32
    %dma_start3A_77 = tpu.memref_slice %arg3[%dma_start3A_75, %dma_start3A_76] : memref<8192x1024xf32, #tpu.memory_space<hbm>> -> memref<8192x1024xf32, #tpu.memory_space<hbm>>
    %dma_start3A_78 = tpu.memref_slice %arg7[%dma_start3A_68] : memref<8x!tpu.dma_semaphore, #tpu.memory_space<semaphore_mem>> -> memref<1x!tpu.dma_semaphore, #tpu.memory_space<semaphore_mem>>
    %dma_start3A_79 = tpu.memref_squeeze %dma_start3A_78 : memref<1x!tpu.dma_semaphore, #tpu.memory_space<semaphore_mem>> -> memref<!tpu.dma_semaphore, #tpu.memory_space<semaphore_mem>>
    tpu.enqueue_indirect_dma source(%dma_start3A_77 : memref<8192x1024xf32, #tpu.memory_space<hbm>>) target(%dma_start3A_72 : memref<8x1024xf32, #tpu.memory_space<vmem>>) offsets(%dma_start3A_74 : memref<8xi32, #tpu.memory_space<vmem>>) semaphore(%dma_start3A_79 : memref<!tpu.dma_semaphore, #tpu.memory_space<semaphore_mem>>)
    %dma_start3A_80 = arith.constant 6 : i32
    %dma_start3A_81 = arith.constant 6 : i32
    %dma_start3A_82 = arith.constant 0 : i32
    %dma_start3A_83 = arith.constant 0 : i32
    %dma_start3A_84 = tpu.memref_slice %arg6[%dma_start3A_80, %dma_start3A_82, %dma_start3A_83] : memref<8x8x1024xf32, #tpu.memory_space<vmem>> -> memref<1x8x1024xf32, #tpu.memory_space<vmem>>
    %dma_start3A_85 = tpu.memref_squeeze %dma_start3A_84 : memref<1x8x1024xf32, #tpu.memory_space<vmem>> -> memref<8x1024xf32, #tpu.memory_space<vmem>>
    %dma_start3A_86 = arith.constant 48 : i32
    %dma_start3A_87 = tpu.memref_slice %arg5[%dma_start3A_86] : memref<1024xi32, #tpu.memory_space<vmem>> -> memref<8xi32, #tpu.memory_space<vmem>>
    %dma_start3A_88 = arith.constant 0 : i32
    %dma_start3A_89 = arith.constant 0 : i32
    %dma_start3A_90 = tpu.memref_slice %arg3[%dma_start3A_88, %dma_start3A_89] : memref<8192x1024xf32, #tpu.memory_space<hbm>> -> memref<8192x1024xf32, #tpu.memory_space<hbm>>
    %dma_start3A_91 = tpu.memref_slice %arg7[%dma_start3A_81] : memref<8x!tpu.dma_semaphore, #tpu.memory_space<semaphore_mem>> -> memref<1x!tpu.dma_semaphore, #tpu.memory_space<semaphore_mem>>
    %dma_start3A_92 = tpu.memref_squeeze %dma_start3A_91 : memref<1x!tpu.dma_semaphore, #tpu.memory_space<semaphore_mem>> -> memref<!tpu.dma_semaphore, #tpu.memory_space<semaphore_mem>>
    tpu.enqueue_indirect_dma source(%dma_start3A_90 : memref<8192x1024xf32, #tpu.memory_space<hbm>>) target(%dma_start3A_85 : memref<8x1024xf32, #tpu.memory_space<vmem>>) offsets(%dma_start3A_87 : memref<8xi32, #tpu.memory_space<vmem>>) semaphore(%dma_start3A_92 : memref<!tpu.dma_semaphore, #tpu.memory_space<semaphore_mem>>)
    %dma_start3A_93 = arith.constant 7 : i32
    %dma_start3A_94 = arith.constant 7 : i32
    %dma_start3A_95 = arith.constant 0 : i32
    %dma_start3A_96 = arith.constant 0 : i32
    %dma_start3A_97 = tpu.memref_slice %arg6[%dma_start3A_93, %dma_start3A_95, %dma_start3A_96] : memref<8x8x1024xf32, #tpu.memory_space<vmem>> -> memref<1x8x1024xf32, #tpu.memory_space<vmem>>
    %dma_start3A_98 = tpu.memref_squeeze %dma_start3A_97 : memref<1x8x1024xf32, #tpu.memory_space<vmem>> -> memref<8x1024xf32, #tpu.memory_space<vmem>>
    %dma_start3A_99 = arith.constant 56 : i32
    %dma_start3A_100 = tpu.memref_slice %arg5[%dma_start3A_99] : memref<1024xi32, #tpu.memory_space<vmem>> -> memref<8xi32, #tpu.memory_space<vmem>>
    %dma_start3A_101 = arith.constant 0 : i32
    %dma_start3A_102 = arith.constant 0 : i32
    %dma_start3A_103 = tpu.memref_slice %arg3[%dma_start3A_101, %dma_start3A_102] : memref<8192x1024xf32, #tpu.memory_space<hbm>> -> memref<8192x1024xf32, #tpu.memory_space<hbm>>
    %dma_start3A_104 = tpu.memref_slice %arg7[%dma_start3A_94] : memref<8x!tpu.dma_semaphore, #tpu.memory_space<semaphore_mem>> -> memref<1x!tpu.dma_semaphore, #tpu.memory_space<semaphore_mem>>
    %dma_start3A_105 = tpu.memref_squeeze %dma_start3A_104 : memref<1x!tpu.dma_semaphore, #tpu.memory_space<semaphore_mem>> -> memref<!tpu.dma_semaphore, #tpu.memory_space<semaphore_mem>>
    tpu.enqueue_indirect_dma source(%dma_start3A_103 : memref<8192x1024xf32, #tpu.memory_space<hbm>>) target(%dma_start3A_98 : memref<8x1024xf32, #tpu.memory_space<vmem>>) offsets(%dma_start3A_100 : memref<8xi32, #tpu.memory_space<vmem>>) semaphore(%dma_start3A_105 : memref<!tpu.dma_semaphore, #tpu.memory_space<semaphore_mem>>)
    %scan3A = arith.constant 0 : i32
    %scan3A_106 = arith.constant 0 : i32
    %scan3A_107 = arith.constant 15 : i32
    %scan3A_108 = arith.addi %scan3A_106, %scan3A_107 : i32
    %scan3A_109 = arith.constant 1 : i32
    scf.for %scan3A_502 = %scan3A_106 to %scan3A_108 step %scan3A_109  : i32 {
      %mul3A_503 = arith.constant 8 : i32
      %mul3A_504 = arith.muli %scan3A_502, %mul3A_503 : i32
      %add3A_505 = arith.constant 0 : i32
      %add3A_506 = arith.addi %mul3A_504, %add3A_505 : i32
      %mul3A_507 = arith.constant 8 : i32
      %mul3A_508 = arith.muli %add3A_506, %mul3A_507 : i32
      %dma_wait3A_509 = arith.constant 0 : i32
      %dma_wait3A_510 = arith.constant 0 : i32
      %dma_wait3A_511 = arith.constant 0 : i32
      %dma_wait3A_512 = arith.constant 0 : i32
      %dma_wait3A_513 = tpu.memref_slice %arg6[%dma_wait3A_509, %dma_wait3A_511, %dma_wait3A_512] : memref<8x8x1024xf32, #tpu.memory_space<vmem>> -> memref<1x8x1024xf32, #tpu.memory_space<vmem>>
      %dma_wait3A_514 = tpu.memref_squeeze %dma_wait3A_513 : memref<1x8x1024xf32, #tpu.memory_space<vmem>> -> memref<8x1024xf32, #tpu.memory_space<vmem>>
      %dma_wait3A_515 = tpu.memref_slice %arg5[%mul3A_508] : memref<1024xi32, #tpu.memory_space<vmem>> -> memref<8xi32, #tpu.memory_space<vmem>>
      %dma_wait3A_516 = arith.constant 0 : i32
      %dma_wait3A_517 = arith.constant 0 : i32
      %dma_wait3A_518 = tpu.memref_slice %arg3[%dma_wait3A_516, %dma_wait3A_517] : memref<8192x1024xf32, #tpu.memory_space<hbm>> -> memref<8192x1024xf32, #tpu.memory_space<hbm>>
      %dma_wait3A_519 = tpu.memref_slice %arg7[%dma_wait3A_510] : memref<8x!tpu.dma_semaphore, #tpu.memory_space<semaphore_mem>> -> memref<1x!tpu.dma_semaphore, #tpu.memory_space<semaphore_mem>>
      %dma_wait3A_520 = tpu.memref_squeeze %dma_wait3A_519 : memref<1x!tpu.dma_semaphore, #tpu.memory_space<semaphore_mem>> -> memref<!tpu.dma_semaphore, #tpu.memory_space<semaphore_mem>>
      tpu.wait_indirect_dma semaphore(%dma_wait3A_520 : memref<!tpu.dma_semaphore, #tpu.memory_space<semaphore_mem>>) src(%dma_wait3A_518 : memref<8192x1024xf32, #tpu.memory_space<hbm>>) dst(%dma_wait3A_514 : memref<8x1024xf32, #tpu.memory_space<vmem>>)
      %mul3A_521 = arith.constant 8 : i32
      %mul3A_522 = arith.muli %add3A_506, %mul3A_521 : i32
      %add3A_523 = arith.addi %mul3A_2, %mul3A_522 : i32
      %dma_start3A_524 = arith.constant 0 : i32
      %dma_start3A_525 = arith.constant 0 : i32
      %dma_start3A_526 = arith.constant 0 : i32
      %dma_start3A_527 = arith.constant 0 : i32
      %dma_start3A_528 = tpu.memref_slice %arg6[%dma_start3A_524, %dma_start3A_526, %dma_start3A_527] : memref<8x8x1024xf32, #tpu.memory_space<vmem>> -> memref<1x8x1024xf32, #tpu.memory_space<vmem>>
      %dma_start3A_529 = tpu.memref_squeeze %dma_start3A_528 : memref<1x8x1024xf32, #tpu.memory_space<vmem>> -> memref<8x1024xf32, #tpu.memory_space<vmem>>
      %dma_start3A_530 = arith.constant 0 : i32
      %dma_start3A_531 = tpu.memref_slice %arg4[%add3A_523, %dma_start3A_530] : memref<32768x1024xf32, #tpu.memory_space<hbm>> -> memref<8x1024xf32, #tpu.memory_space<hbm>>
      %dma_start3A_532 = tpu.memref_slice %arg8[%dma_start3A_525] : memref<8x!tpu.dma_semaphore, #tpu.memory_space<semaphore_mem>> -> memref<1x!tpu.dma_semaphore, #tpu.memory_space<semaphore_mem>>
      %dma_start3A_533 = tpu.memref_squeeze %dma_start3A_532 : memref<1x!tpu.dma_semaphore, #tpu.memory_space<semaphore_mem>> -> memref<!tpu.dma_semaphore, #tpu.memory_space<semaphore_mem>>
      %dma_start3A_534 = arith.constant 0 : i32
      %dma_start3A_535 = tpu.memref_slice %arg4[%add3A_523, %dma_start3A_534] : memref<32768x1024xf32, #tpu.memory_space<hbm>> -> memref<8x1024xf32, #tpu.memory_space<hbm>>
      %dma_start3A_536 = arith.constant 0 : i32
      %dma_start3A_537 = arith.constant 0 : i32
      %dma_start3A_538 = tpu.memref_slice %arg6[%dma_start3A_524, %dma_start3A_536, %dma_start3A_537] : memref<8x8x1024xf32, #tpu.memory_space<vmem>> -> memref<1x8x1024xf32, #tpu.memory_space<vmem>>
      %dma_start3A_539 = tpu.memref_squeeze %dma_start3A_538 : memref<1x8x1024xf32, #tpu.memory_space<vmem>> -> memref<8x1024xf32, #tpu.memory_space<vmem>>
      tpu.enqueue_dma source(%dma_start3A_539 : memref<8x1024xf32, #tpu.memory_space<vmem>>) target(%dma_start3A_535 : memref<8x1024xf32, #tpu.memory_space<hbm>>) target_semaphore(%dma_start3A_533 : memref<!tpu.dma_semaphore, #tpu.memory_space<semaphore_mem>>)
      %mul3A_540 = arith.constant 8 : i32
      %mul3A_541 = arith.muli %add3A_506, %mul3A_540 : i32
      %add3A_542 = arith.addi %mul3A_2, %mul3A_541 : i32
      %dma_wait3A_543 = arith.constant 0 : i32
      %dma_wait3A_544 = arith.constant 0 : i32
      %dma_wait3A_545 = arith.constant 0 : i32
      %dma_wait3A_546 = arith.constant 0 : i32
      %dma_wait3A_547 = tpu.memref_slice %arg6[%dma_wait3A_543, %dma_wait3A_545, %dma_wait3A_546] : memref<8x8x1024xf32, #tpu.memory_space<vmem>> -> memref<1x8x1024xf32, #tpu.memory_space<vmem>>
      %dma_wait3A_548 = tpu.memref_squeeze %dma_wait3A_547 : memref<1x8x1024xf32, #tpu.memory_space<vmem>> -> memref<8x1024xf32, #tpu.memory_space<vmem>>
      %dma_wait3A_549 = arith.constant 0 : i32
      %dma_wait3A_550 = tpu.memref_slice %arg4[%add3A_542, %dma_wait3A_549] : memref<32768x1024xf32, #tpu.memory_space<hbm>> -> memref<8x1024xf32, #tpu.memory_space<hbm>>
      %dma_wait3A_551 = tpu.memref_slice %arg8[%dma_wait3A_544] : memref<8x!tpu.dma_semaphore, #tpu.memory_space<semaphore_mem>> -> memref<1x!tpu.dma_semaphore, #tpu.memory_space<semaphore_mem>>
      %dma_wait3A_552 = tpu.memref_squeeze %dma_wait3A_551 : memref<1x!tpu.dma_semaphore, #tpu.memory_space<semaphore_mem>> -> memref<!tpu.dma_semaphore, #tpu.memory_space<semaphore_mem>>
      %dma_wait3A_553 = arith.constant 0 : i32
      %dma_wait3A_554 = tpu.memref_slice %arg4[%add3A_542, %dma_wait3A_553] : memref<32768x1024xf32, #tpu.memory_space<hbm>> -> memref<8x1024xf32, #tpu.memory_space<hbm>>
      %dma_wait3A_555 = arith.constant 0 : i32
      %dma_wait3A_556 = arith.constant 0 : i32
      %dma_wait3A_557 = tpu.memref_slice %arg6[%dma_wait3A_543, %dma_wait3A_555, %dma_wait3A_556] : memref<8x8x1024xf32, #tpu.memory_space<vmem>> -> memref<1x8x1024xf32, #tpu.memory_space<vmem>>
      %dma_wait3A_558 = tpu.memref_squeeze %dma_wait3A_557 : memref<1x8x1024xf32, #tpu.memory_space<vmem>> -> memref<8x1024xf32, #tpu.memory_space<vmem>>
      tpu.wait_dma2 semaphore(%dma_wait3A_552 : memref<!tpu.dma_semaphore, #tpu.memory_space<semaphore_mem>>) src(%dma_wait3A_558 : memref<8x1024xf32, #tpu.memory_space<vmem>>) dst(%dma_wait3A_554 : memref<8x1024xf32, #tpu.memory_space<hbm>>)
      %add3A_559 = arith.constant 8 : i32
      %add3A_560 = arith.addi %add3A_506, %add3A_559 : i32
      %mul3A_561 = arith.constant 8 : i32
      %mul3A_562 = arith.muli %add3A_560, %mul3A_561 : i32
      %dma_start3A_563 = arith.constant 0 : i32
      %dma_start3A_564 = arith.constant 0 : i32
      %dma_start3A_565 = arith.constant 0 : i32
      %dma_start3A_566 = arith.constant 0 : i32
      %dma_start3A_567 = tpu.memref_slice %arg6[%dma_start3A_563, %dma_start3A_565, %dma_start3A_566] : memref<8x8x1024xf32, #tpu.memory_space<vmem>> -> memref<1x8x1024xf32, #tpu.memory_space<vmem>>
      %dma_start3A_568 = tpu.memref_squeeze %dma_start3A_567 : memref<1x8x1024xf32, #tpu.memory_space<vmem>> -> memref<8x1024xf32, #tpu.memory_space<vmem>>
      %dma_start3A_569 = tpu.memref_slice %arg5[%mul3A_562] : memref<1024xi32, #tpu.memory_space<vmem>> -> memref<8xi32, #tpu.memory_space<vmem>>
      %dma_start3A_570 = arith.constant 0 : i32
      %dma_start3A_571 = arith.constant 0 : i32
      %dma_start3A_572 = tpu.memref_slice %arg3[%dma_start3A_570, %dma_start3A_571] : memref<8192x1024xf32, #tpu.memory_space<hbm>> -> memref<8192x1024xf32, #tpu.memory_space<hbm>>
      %dma_start3A_573 = tpu.memref_slice %arg7[%dma_start3A_564] : memref<8x!tpu.dma_semaphore, #tpu.memory_space<semaphore_mem>> -> memref<1x!tpu.dma_semaphore, #tpu.memory_space<semaphore_mem>>
      %dma_start3A_574 = tpu.memref_squeeze %dma_start3A_573 : memref<1x!tpu.dma_semaphore, #tpu.memory_space<semaphore_mem>> -> memref<!tpu.dma_semaphore, #tpu.memory_space<semaphore_mem>>
      tpu.enqueue_indirect_dma source(%dma_start3A_572 : memref<8192x1024xf32, #tpu.memory_space<hbm>>) target(%dma_start3A_568 : memref<8x1024xf32, #tpu.memory_space<vmem>>) offsets(%dma_start3A_569 : memref<8xi32, #tpu.memory_space<vmem>>) semaphore(%dma_start3A_574 : memref<!tpu.dma_semaphore, #tpu.memory_space<semaphore_mem>>)
      %mul3A_575 = arith.constant 8 : i32
      %mul3A_576 = arith.muli %scan3A_502, %mul3A_575 : i32
      %add3A_577 = arith.constant 1 : i32
      %add3A_578 = arith.addi %mul3A_576, %add3A_577 : i32
      %mul3A_579 = arith.constant 8 : i32
      %mul3A_580 = arith.muli %add3A_578, %mul3A_579 : i32
      %dma_wait3A_581 = arith.constant 1 : i32
      %dma_wait3A_582 = arith.constant 1 : i32
      %dma_wait3A_583 = arith.constant 0 : i32
      %dma_wait3A_584 = arith.constant 0 : i32
      %dma_wait3A_585 = tpu.memref_slice %arg6[%dma_wait3A_581, %dma_wait3A_583, %dma_wait3A_584] : memref<8x8x1024xf32, #tpu.memory_space<vmem>> -> memref<1x8x1024xf32, #tpu.memory_space<vmem>>
      %dma_wait3A_586 = tpu.memref_squeeze %dma_wait3A_585 : memref<1x8x1024xf32, #tpu.memory_space<vmem>> -> memref<8x1024xf32, #tpu.memory_space<vmem>>
      %dma_wait3A_587 = tpu.memref_slice %arg5[%mul3A_580] : memref<1024xi32, #tpu.memory_space<vmem>> -> memref<8xi32, #tpu.memory_space<vmem>>
      %dma_wait3A_588 = arith.constant 0 : i32
      %dma_wait3A_589 = arith.constant 0 : i32
      %dma_wait3A_590 = tpu.memref_slice %arg3[%dma_wait3A_588, %dma_wait3A_589] : memref<8192x1024xf32, #tpu.memory_space<hbm>> -> memref<8192x1024xf32, #tpu.memory_space<hbm>>
      %dma_wait3A_591 = tpu.memref_slice %arg7[%dma_wait3A_582] : memref<8x!tpu.dma_semaphore, #tpu.memory_space<semaphore_mem>> -> memref<1x!tpu.dma_semaphore, #tpu.memory_space<semaphore_mem>>
      %dma_wait3A_592 = tpu.memref_squeeze %dma_wait3A_591 : memref<1x!tpu.dma_semaphore, #tpu.memory_space<semaphore_mem>> -> memref<!tpu.dma_semaphore, #tpu.memory_space<semaphore_mem>>
      tpu.wait_indirect_dma semaphore(%dma_wait3A_592 : memref<!tpu.dma_semaphore, #tpu.memory_space<semaphore_mem>>) src(%dma_wait3A_590 : memref<8192x1024xf32, #tpu.memory_space<hbm>>) dst(%dma_wait3A_586 : memref<8x1024xf32, #tpu.memory_space<vmem>>)
      %mul3A_593 = arith.constant 8 : i32
      %mul3A_594 = arith.muli %add3A_578, %mul3A_593 : i32
      %add3A_595 = arith.addi %mul3A_2, %mul3A_594 : i32
      %dma_start3A_596 = arith.constant 1 : i32
      %dma_start3A_597 = arith.constant 1 : i32
      %dma_start3A_598 = arith.constant 0 : i32
      %dma_start3A_599 = arith.constant 0 : i32
      %dma_start3A_600 = tpu.memref_slice %arg6[%dma_start3A_596, %dma_start3A_598, %dma_start3A_599] : memref<8x8x1024xf32, #tpu.memory_space<vmem>> -> memref<1x8x1024xf32, #tpu.memory_space<vmem>>
      %dma_start3A_601 = tpu.memref_squeeze %dma_start3A_600 : memref<1x8x1024xf32, #tpu.memory_space<vmem>> -> memref<8x1024xf32, #tpu.memory_space<vmem>>
      %dma_start3A_602 = arith.constant 0 : i32
      %dma_start3A_603 = tpu.memref_slice %arg4[%add3A_595, %dma_start3A_602] : memref<32768x1024xf32, #tpu.memory_space<hbm>> -> memref<8x1024xf32, #tpu.memory_space<hbm>>
      %dma_start3A_604 = tpu.memref_slice %arg8[%dma_start3A_597] : memref<8x!tpu.dma_semaphore, #tpu.memory_space<semaphore_mem>> -> memref<1x!tpu.dma_semaphore, #tpu.memory_space<semaphore_mem>>
      %dma_start3A_605 = tpu.memref_squeeze %dma_start3A_604 : memref<1x!tpu.dma_semaphore, #tpu.memory_space<semaphore_mem>> -> memref<!tpu.dma_semaphore, #tpu.memory_space<semaphore_mem>>
      %dma_start3A_606 = arith.constant 0 : i32
      %dma_start3A_607 = tpu.memref_slice %arg4[%add3A_595, %dma_start3A_606] : memref<32768x1024xf32, #tpu.memory_space<hbm>> -> memref<8x1024xf32, #tpu.memory_space<hbm>>
      %dma_start3A_608 = arith.constant 0 : i32
      %dma_start3A_609 = arith.constant 0 : i32
      %dma_start3A_610 = tpu.memref_slice %arg6[%dma_start3A_596, %dma_start3A_608, %dma_start3A_609] : memref<8x8x1024xf32, #tpu.memory_space<vmem>> -> memref<1x8x1024xf32, #tpu.memory_space<vmem>>
      %dma_start3A_611 = tpu.memref_squeeze %dma_start3A_610 : memref<1x8x1024xf32, #tpu.memory_space<vmem>> -> memref<8x1024xf32, #tpu.memory_space<vmem>>
      tpu.enqueue_dma source(%dma_start3A_611 : memref<8x1024xf32, #tpu.memory_space<vmem>>) target(%dma_start3A_607 : memref<8x1024xf32, #tpu.memory_space<hbm>>) target_semaphore(%dma_start3A_605 : memref<!tpu.dma_semaphore, #tpu.memory_space<semaphore_mem>>)
      %mul3A_612 = arith.constant 8 : i32
      %mul3A_613 = arith.muli %add3A_578, %mul3A_612 : i32
      %add3A_614 = arith.addi %mul3A_2, %mul3A_613 : i32
      %dma_wait3A_615 = arith.constant 1 : i32
      %dma_wait3A_616 = arith.constant 1 : i32
      %dma_wait3A_617 = arith.constant 0 : i32
      %dma_wait3A_618 = arith.constant 0 : i32
      %dma_wait3A_619 = tpu.memref_slice %arg6[%dma_wait3A_615, %dma_wait3A_617, %dma_wait3A_618] : memref<8x8x1024xf32, #tpu.memory_space<vmem>> -> memref<1x8x1024xf32, #tpu.memory_space<vmem>>
      %dma_wait3A_620 = tpu.memref_squeeze %dma_wait3A_619 : memref<1x8x1024xf32, #tpu.memory_space<vmem>> -> memref<8x1024xf32, #tpu.memory_space<vmem>>
      %dma_wait3A_621 = arith.constant 0 : i32
      %dma_wait3A_622 = tpu.memref_slice %arg4[%add3A_614, %dma_wait3A_621] : memref<32768x1024xf32, #tpu.memory_space<hbm>> -> memref<8x1024xf32, #tpu.memory_space<hbm>>
      %dma_wait3A_623 = tpu.memref_slice %arg8[%dma_wait3A_616] : memref<8x!tpu.dma_semaphore, #tpu.memory_space<semaphore_mem>> -> memref<1x!tpu.dma_semaphore, #tpu.memory_space<semaphore_mem>>
      %dma_wait3A_624 = tpu.memref_squeeze %dma_wait3A_623 : memref<1x!tpu.dma_semaphore, #tpu.memory_space<semaphore_mem>> -> memref<!tpu.dma_semaphore, #tpu.memory_space<semaphore_mem>>
      %dma_wait3A_625 = arith.constant 0 : i32
      %dma_wait3A_626 = tpu.memref_slice %arg4[%add3A_614, %dma_wait3A_625] : memref<32768x1024xf32, #tpu.memory_space<hbm>> -> memref<8x1024xf32, #tpu.memory_space<hbm>>
      %dma_wait3A_627 = arith.constant 0 : i32
      %dma_wait3A_628 = arith.constant 0 : i32
      %dma_wait3A_629 = tpu.memref_slice %arg6[%dma_wait3A_615, %dma_wait3A_627, %dma_wait3A_628] : memref<8x8x1024xf32, #tpu.memory_space<vmem>> -> memref<1x8x1024xf32, #tpu.memory_space<vmem>>
      %dma_wait3A_630 = tpu.memref_squeeze %dma_wait3A_629 : memref<1x8x1024xf32, #tpu.memory_space<vmem>> -> memref<8x1024xf32, #tpu.memory_space<vmem>>
      tpu.wait_dma2 semaphore(%dma_wait3A_624 : memref<!tpu.dma_semaphore, #tpu.memory_space<semaphore_mem>>) src(%dma_wait3A_630 : memref<8x1024xf32, #tpu.memory_space<vmem>>) dst(%dma_wait3A_626 : memref<8x1024xf32, #tpu.memory_space<hbm>>)
      %add3A_631 = arith.constant 8 : i32
      %add3A_632 = arith.addi %add3A_578, %add3A_631 : i32
      %mul3A_633 = arith.constant 8 : i32
      %mul3A_634 = arith.muli %add3A_632, %mul3A_633 : i32
      %dma_start3A_635 = arith.constant 1 : i32
      %dma_start3A_636 = arith.constant 1 : i32
      %dma_start3A_637 = arith.constant 0 : i32
      %dma_start3A_638 = arith.constant 0 : i32
      %dma_start3A_639 = tpu.memref_slice %arg6[%dma_start3A_635, %dma_start3A_637, %dma_start3A_638] : memref<8x8x1024xf32, #tpu.memory_space<vmem>> -> memref<1x8x1024xf32, #tpu.memory_space<vmem>>
      %dma_start3A_640 = tpu.memref_squeeze %dma_start3A_639 : memref<1x8x1024xf32, #tpu.memory_space<vmem>> -> memref<8x1024xf32, #tpu.memory_space<vmem>>
      %dma_start3A_641 = tpu.memref_slice %arg5[%mul3A_634] : memref<1024xi32, #tpu.memory_space<vmem>> -> memref<8xi32, #tpu.memory_space<vmem>>
      %dma_start3A_642 = arith.constant 0 : i32
      %dma_start3A_643 = arith.constant 0 : i32
      %dma_start3A_644 = tpu.memref_slice %arg3[%dma_start3A_642, %dma_start3A_643] : memref<8192x1024xf32, #tpu.memory_space<hbm>> -> memref<8192x1024xf32, #tpu.memory_space<hbm>>
      %dma_start3A_645 = tpu.memref_slice %arg7[%dma_start3A_636] : memref<8x!tpu.dma_semaphore, #tpu.memory_space<semaphore_mem>> -> memref<1x!tpu.dma_semaphore, #tpu.memory_space<semaphore_mem>>
      %dma_start3A_646 = tpu.memref_squeeze %dma_start3A_645 : memref<1x!tpu.dma_semaphore, #tpu.memory_space<semaphore_mem>> -> memref<!tpu.dma_semaphore, #tpu.memory_space<semaphore_mem>>
      tpu.enqueue_indirect_dma source(%dma_start3A_644 : memref<8192x1024xf32, #tpu.memory_space<hbm>>) target(%dma_start3A_640 : memref<8x1024xf32, #tpu.memory_space<vmem>>) offsets(%dma_start3A_641 : memref<8xi32, #tpu.memory_space<vmem>>) semaphore(%dma_start3A_646 : memref<!tpu.dma_semaphore, #tpu.memory_space<semaphore_mem>>)
      %mul3A_647 = arith.constant 8 : i32
      %mul3A_648 = arith.muli %scan3A_502, %mul3A_647 : i32
      %add3A_649 = arith.constant 2 : i32
      %add3A_650 = arith.addi %mul3A_648, %add3A_649 : i32
      %mul3A_651 = arith.constant 8 : i32
      %mul3A_652 = arith.muli %add3A_650, %mul3A_651 : i32
      %dma_wait3A_653 = arith.constant 2 : i32
      %dma_wait3A_654 = arith.constant 2 : i32
      %dma_wait3A_655 = arith.constant 0 : i32
      %dma_wait3A_656 = arith.constant 0 : i32
      %dma_wait3A_657 = tpu.memref_slice %arg6[%dma_wait3A_653, %dma_wait3A_655, %dma_wait3A_656] : memref<8x8x1024xf32, #tpu.memory_space<vmem>> -> memref<1x8x1024xf32, #tpu.memory_space<vmem>>
      %dma_wait3A_658 = tpu.memref_squeeze %dma_wait3A_657 : memref<1x8x1024xf32, #tpu.memory_space<vmem>> -> memref<8x1024xf32, #tpu.memory_space<vmem>>
      %dma_wait3A_659 = tpu.memref_slice %arg5[%mul3A_652] : memref<1024xi32, #tpu.memory_space<vmem>> -> memref<8xi32, #tpu.memory_space<vmem>>
      %dma_wait3A_660 = arith.constant 0 : i32
      %dma_wait3A_661 = arith.constant 0 : i32
      %dma_wait3A_662 = tpu.memref_slice %arg3[%dma_wait3A_660, %dma_wait3A_661] : memref<8192x1024xf32, #tpu.memory_space<hbm>> -> memref<8192x1024xf32, #tpu.memory_space<hbm>>
      %dma_wait3A_663 = tpu.memref_slice %arg7[%dma_wait3A_654] : memref<8x!tpu.dma_semaphore, #tpu.memory_space<semaphore_mem>> -> memref<1x!tpu.dma_semaphore, #tpu.memory_space<semaphore_mem>>
      %dma_wait3A_664 = tpu.memref_squeeze %dma_wait3A_663 : memref<1x!tpu.dma_semaphore, #tpu.memory_space<semaphore_mem>> -> memref<!tpu.dma_semaphore, #tpu.memory_space<semaphore_mem>>
      tpu.wait_indirect_dma semaphore(%dma_wait3A_664 : memref<!tpu.dma_semaphore, #tpu.memory_space<semaphore_mem>>) src(%dma_wait3A_662 : memref<8192x1024xf32, #tpu.memory_space<hbm>>) dst(%dma_wait3A_658 : memref<8x1024xf32, #tpu.memory_space<vmem>>)
      %mul3A_665 = arith.constant 8 : i32
      %mul3A_666 = arith.muli %add3A_650, %mul3A_665 : i32
      %add3A_667 = arith.addi %mul3A_2, %mul3A_666 : i32
      %dma_start3A_668 = arith.constant 2 : i32
      %dma_start3A_669 = arith.constant 2 : i32
      %dma_start3A_670 = arith.constant 0 : i32
      %dma_start3A_671 = arith.constant 0 : i32
      %dma_start3A_672 = tpu.memref_slice %arg6[%dma_start3A_668, %dma_start3A_670, %dma_start3A_671] : memref<8x8x1024xf32, #tpu.memory_space<vmem>> -> memref<1x8x1024xf32, #tpu.memory_space<vmem>>
      %dma_start3A_673 = tpu.memref_squeeze %dma_start3A_672 : memref<1x8x1024xf32, #tpu.memory_space<vmem>> -> memref<8x1024xf32, #tpu.memory_space<vmem>>
      %dma_start3A_674 = arith.constant 0 : i32
      %dma_start3A_675 = tpu.memref_slice %arg4[%add3A_667, %dma_start3A_674] : memref<32768x1024xf32, #tpu.memory_space<hbm>> -> memref<8x1024xf32, #tpu.memory_space<hbm>>
      %dma_start3A_676 = tpu.memref_slice %arg8[%dma_start3A_669] : memref<8x!tpu.dma_semaphore, #tpu.memory_space<semaphore_mem>> -> memref<1x!tpu.dma_semaphore, #tpu.memory_space<semaphore_mem>>
      %dma_start3A_677 = tpu.memref_squeeze %dma_start3A_676 : memref<1x!tpu.dma_semaphore, #tpu.memory_space<semaphore_mem>> -> memref<!tpu.dma_semaphore, #tpu.memory_space<semaphore_mem>>
      %dma_start3A_678 = arith.constant 0 : i32
      %dma_start3A_679 = tpu.memref_slice %arg4[%add3A_667, %dma_start3A_678] : memref<32768x1024xf32, #tpu.memory_space<hbm>> -> memref<8x1024xf32, #tpu.memory_space<hbm>>
      %dma_start3A_680 = arith.constant 0 : i32
      %dma_start3A_681 = arith.constant 0 : i32
      %dma_start3A_682 = tpu.memref_slice %arg6[%dma_start3A_668, %dma_start3A_680, %dma_start3A_681] : memref<8x8x1024xf32, #tpu.memory_space<vmem>> -> memref<1x8x1024xf32, #tpu.memory_space<vmem>>
      %dma_start3A_683 = tpu.memref_squeeze %dma_start3A_682 : memref<1x8x1024xf32, #tpu.memory_space<vmem>> -> memref<8x1024xf32, #tpu.memory_space<vmem>>
      tpu.enqueue_dma source(%dma_start3A_683 : memref<8x1024xf32, #tpu.memory_space<vmem>>) target(%dma_start3A_679 : memref<8x1024xf32, #tpu.memory_space<hbm>>) target_semaphore(%dma_start3A_677 : memref<!tpu.dma_semaphore, #tpu.memory_space<semaphore_mem>>)
      %mul3A_684 = arith.constant 8 : i32
      %mul3A_685 = arith.muli %add3A_650, %mul3A_684 : i32
      %add3A_686 = arith.addi %mul3A_2, %mul3A_685 : i32
      %dma_wait3A_687 = arith.constant 2 : i32
      %dma_wait3A_688 = arith.constant 2 : i32
      %dma_wait3A_689 = arith.constant 0 : i32
      %dma_wait3A_690 = arith.constant 0 : i32
      %dma_wait3A_691 = tpu.memref_slice %arg6[%dma_wait3A_687, %dma_wait3A_689, %dma_wait3A_690] : memref<8x8x1024xf32, #tpu.memory_space<vmem>> -> memref<1x8x1024xf32, #tpu.memory_space<vmem>>
      %dma_wait3A_692 = tpu.memref_squeeze %dma_wait3A_691 : memref<1x8x1024xf32, #tpu.memory_space<vmem>> -> memref<8x1024xf32, #tpu.memory_space<vmem>>
      %dma_wait3A_693 = arith.constant 0 : i32
      %dma_wait3A_694 = tpu.memref_slice %arg4[%add3A_686, %dma_wait3A_693] : memref<32768x1024xf32, #tpu.memory_space<hbm>> -> memref<8x1024xf32, #tpu.memory_space<hbm>>
      %dma_wait3A_695 = tpu.memref_slice %arg8[%dma_wait3A_688] : memref<8x!tpu.dma_semaphore, #tpu.memory_space<semaphore_mem>> -> memref<1x!tpu.dma_semaphore, #tpu.memory_space<semaphore_mem>>
      %dma_wait3A_696 = tpu.memref_squeeze %dma_wait3A_695 : memref<1x!tpu.dma_semaphore, #tpu.memory_space<semaphore_mem>> -> memref<!tpu.dma_semaphore, #tpu.memory_space<semaphore_mem>>
      %dma_wait3A_697 = arith.constant 0 : i32
      %dma_wait3A_698 = tpu.memref_slice %arg4[%add3A_686, %dma_wait3A_697] : memref<32768x1024xf32, #tpu.memory_space<hbm>> -> memref<8x1024xf32, #tpu.memory_space<hbm>>
      %dma_wait3A_699 = arith.constant 0 : i32
      %dma_wait3A_700 = arith.constant 0 : i32
      %dma_wait3A_701 = tpu.memref_slice %arg6[%dma_wait3A_687, %dma_wait3A_699, %dma_wait3A_700] : memref<8x8x1024xf32, #tpu.memory_space<vmem>> -> memref<1x8x1024xf32, #tpu.memory_space<vmem>>
      %dma_wait3A_702 = tpu.memref_squeeze %dma_wait3A_701 : memref<1x8x1024xf32, #tpu.memory_space<vmem>> -> memref<8x1024xf32, #tpu.memory_space<vmem>>
      tpu.wait_dma2 semaphore(%dma_wait3A_696 : memref<!tpu.dma_semaphore, #tpu.memory_space<semaphore_mem>>) src(%dma_wait3A_702 : memref<8x1024xf32, #tpu.memory_space<vmem>>) dst(%dma_wait3A_698 : memref<8x1024xf32, #tpu.memory_space<hbm>>)
      %add3A_703 = arith.constant 8 : i32
      %add3A_704 = arith.addi %add3A_650, %add3A_703 : i32
      %mul3A_705 = arith.constant 8 : i32
      %mul3A_706 = arith.muli %add3A_704, %mul3A_705 : i32
      %dma_start3A_707 = arith.constant 2 : i32
      %dma_start3A_708 = arith.constant 2 : i32
      %dma_start3A_709 = arith.constant 0 : i32
      %dma_start3A_710 = arith.constant 0 : i32
      %dma_start3A_711 = tpu.memref_slice %arg6[%dma_start3A_707, %dma_start3A_709, %dma_start3A_710] : memref<8x8x1024xf32, #tpu.memory_space<vmem>> -> memref<1x8x1024xf32, #tpu.memory_space<vmem>>
      %dma_start3A_712 = tpu.memref_squeeze %dma_start3A_711 : memref<1x8x1024xf32, #tpu.memory_space<vmem>> -> memref<8x1024xf32, #tpu.memory_space<vmem>>
      %dma_start3A_713 = tpu.memref_slice %arg5[%mul3A_706] : memref<1024xi32, #tpu.memory_space<vmem>> -> memref<8xi32, #tpu.memory_space<vmem>>
      %dma_start3A_714 = arith.constant 0 : i32
      %dma_start3A_715 = arith.constant 0 : i32
      %dma_start3A_716 = tpu.memref_slice %arg3[%dma_start3A_714, %dma_start3A_715] : memref<8192x1024xf32, #tpu.memory_space<hbm>> -> memref<8192x1024xf32, #tpu.memory_space<hbm>>
      %dma_start3A_717 = tpu.memref_slice %arg7[%dma_start3A_708] : memref<8x!tpu.dma_semaphore, #tpu.memory_space<semaphore_mem>> -> memref<1x!tpu.dma_semaphore, #tpu.memory_space<semaphore_mem>>
      %dma_start3A_718 = tpu.memref_squeeze %dma_start3A_717 : memref<1x!tpu.dma_semaphore, #tpu.memory_space<semaphore_mem>> -> memref<!tpu.dma_semaphore, #tpu.memory_space<semaphore_mem>>
      tpu.enqueue_indirect_dma source(%dma_start3A_716 : memref<8192x1024xf32, #tpu.memory_space<hbm>>) target(%dma_start3A_712 : memref<8x1024xf32, #tpu.memory_space<vmem>>) offsets(%dma_start3A_713 : memref<8xi32, #tpu.memory_space<vmem>>) semaphore(%dma_start3A_718 : memref<!tpu.dma_semaphore, #tpu.memory_space<semaphore_mem>>)
      %mul3A_719 = arith.constant 8 : i32
      %mul3A_720 = arith.muli %scan3A_502, %mul3A_719 : i32
      %add3A_721 = arith.constant 3 : i32
      %add3A_722 = arith.addi %mul3A_720, %add3A_721 : i32
      %mul3A_723 = arith.constant 8 : i32
      %mul3A_724 = arith.muli %add3A_722, %mul3A_723 : i32
      %dma_wait3A_725 = arith.constant 3 : i32
      %dma_wait3A_726 = arith.constant 3 : i32
      %dma_wait3A_727 = arith.constant 0 : i32
      %dma_wait3A_728 = arith.constant 0 : i32
      %dma_wait3A_729 = tpu.memref_slice %arg6[%dma_wait3A_725, %dma_wait3A_727, %dma_wait3A_728] : memref<8x8x1024xf32, #tpu.memory_space<vmem>> -> memref<1x8x1024xf32, #tpu.memory_space<vmem>>
      %dma_wait3A_730 = tpu.memref_squeeze %dma_wait3A_729 : memref<1x8x1024xf32, #tpu.memory_space<vmem>> -> memref<8x1024xf32, #tpu.memory_space<vmem>>
      %dma_wait3A_731 = tpu.memref_slice %arg5[%mul3A_724] : memref<1024xi32, #tpu.memory_space<vmem>> -> memref<8xi32, #tpu.memory_space<vmem>>
      %dma_wait3A_732 = arith.constant 0 : i32
      %dma_wait3A_733 = arith.constant 0 : i32
      %dma_wait3A_734 = tpu.memref_slice %arg3[%dma_wait3A_732, %dma_wait3A_733] : memref<8192x1024xf32, #tpu.memory_space<hbm>> -> memref<8192x1024xf32, #tpu.memory_space<hbm>>
      %dma_wait3A_735 = tpu.memref_slice %arg7[%dma_wait3A_726] : memref<8x!tpu.dma_semaphore, #tpu.memory_space<semaphore_mem>> -> memref<1x!tpu.dma_semaphore, #tpu.memory_space<semaphore_mem>>
      %dma_wait3A_736 = tpu.memref_squeeze %dma_wait3A_735 : memref<1x!tpu.dma_semaphore, #tpu.memory_space<semaphore_mem>> -> memref<!tpu.dma_semaphore, #tpu.memory_space<semaphore_mem>>
      tpu.wait_indirect_dma semaphore(%dma_wait3A_736 : memref<!tpu.dma_semaphore, #tpu.memory_space<semaphore_mem>>) src(%dma_wait3A_734 : memref<8192x1024xf32, #tpu.memory_space<hbm>>) dst(%dma_wait3A_730 : memref<8x1024xf32, #tpu.memory_space<vmem>>)
      %mul3A_737 = arith.constant 8 : i32
      %mul3A_738 = arith.muli %add3A_722, %mul3A_737 : i32
      %add3A_739 = arith.addi %mul3A_2, %mul3A_738 : i32
      %dma_start3A_740 = arith.constant 3 : i32
      %dma_start3A_741 = arith.constant 3 : i32
      %dma_start3A_742 = arith.constant 0 : i32
      %dma_start3A_743 = arith.constant 0 : i32
      %dma_start3A_744 = tpu.memref_slice %arg6[%dma_start3A_740, %dma_start3A_742, %dma_start3A_743] : memref<8x8x1024xf32, #tpu.memory_space<vmem>> -> memref<1x8x1024xf32, #tpu.memory_space<vmem>>
      %dma_start3A_745 = tpu.memref_squeeze %dma_start3A_744 : memref<1x8x1024xf32, #tpu.memory_space<vmem>> -> memref<8x1024xf32, #tpu.memory_space<vmem>>
      %dma_start3A_746 = arith.constant 0 : i32
      %dma_start3A_747 = tpu.memref_slice %arg4[%add3A_739, %dma_start3A_746] : memref<32768x1024xf32, #tpu.memory_space<hbm>> -> memref<8x1024xf32, #tpu.memory_space<hbm>>
      %dma_start3A_748 = tpu.memref_slice %arg8[%dma_start3A_741] : memref<8x!tpu.dma_semaphore, #tpu.memory_space<semaphore_mem>> -> memref<1x!tpu.dma_semaphore, #tpu.memory_space<semaphore_mem>>
      %dma_start3A_749 = tpu.memref_squeeze %dma_start3A_748 : memref<1x!tpu.dma_semaphore, #tpu.memory_space<semaphore_mem>> -> memref<!tpu.dma_semaphore, #tpu.memory_space<semaphore_mem>>
      %dma_start3A_750 = arith.constant 0 : i32
      %dma_start3A_751 = tpu.memref_slice %arg4[%add3A_739, %dma_start3A_750] : memref<32768x1024xf32, #tpu.memory_space<hbm>> -> memref<8x1024xf32, #tpu.memory_space<hbm>>
      %dma_start3A_752 = arith.constant 0 : i32
      %dma_start3A_753 = arith.constant 0 : i32
      %dma_start3A_754 = tpu.memref_slice %arg6[%dma_start3A_740, %dma_start3A_752, %dma_start3A_753] : memref<8x8x1024xf32, #tpu.memory_space<vmem>> -> memref<1x8x1024xf32, #tpu.memory_space<vmem>>
      %dma_start3A_755 = tpu.memref_squeeze %dma_start3A_754 : memref<1x8x1024xf32, #tpu.memory_space<vmem>> -> memref<8x1024xf32, #tpu.memory_space<vmem>>
      tpu.enqueue_dma source(%dma_start3A_755 : memref<8x1024xf32, #tpu.memory_space<vmem>>) target(%dma_start3A_751 : memref<8x1024xf32, #tpu.memory_space<hbm>>) target_semaphore(%dma_start3A_749 : memref<!tpu.dma_semaphore, #tpu.memory_space<semaphore_mem>>)
      %mul3A_756 = arith.constant 8 : i32
      %mul3A_757 = arith.muli %add3A_722, %mul3A_756 : i32
      %add3A_758 = arith.addi %mul3A_2, %mul3A_757 : i32
      %dma_wait3A_759 = arith.constant 3 : i32
      %dma_wait3A_760 = arith.constant 3 : i32
      %dma_wait3A_761 = arith.constant 0 : i32
      %dma_wait3A_762 = arith.constant 0 : i32
      %dma_wait3A_763 = tpu.memref_slice %arg6[%dma_wait3A_759, %dma_wait3A_761, %dma_wait3A_762] : memref<8x8x1024xf32, #tpu.memory_space<vmem>> -> memref<1x8x1024xf32, #tpu.memory_space<vmem>>
      %dma_wait3A_764 = tpu.memref_squeeze %dma_wait3A_763 : memref<1x8x1024xf32, #tpu.memory_space<vmem>> -> memref<8x1024xf32, #tpu.memory_space<vmem>>
      %dma_wait3A_765 = arith.constant 0 : i32
      %dma_wait3A_766 = tpu.memref_slice %arg4[%add3A_758, %dma_wait3A_765] : memref<32768x1024xf32, #tpu.memory_space<hbm>> -> memref<8x1024xf32, #tpu.memory_space<hbm>>
      %dma_wait3A_767 = tpu.memref_slice %arg8[%dma_wait3A_760] : memref<8x!tpu.dma_semaphore, #tpu.memory_space<semaphore_mem>> -> memref<1x!tpu.dma_semaphore, #tpu.memory_space<semaphore_mem>>
      %dma_wait3A_768 = tpu.memref_squeeze %dma_wait3A_767 : memref<1x!tpu.dma_semaphore, #tpu.memory_space<semaphore_mem>> -> memref<!tpu.dma_semaphore, #tpu.memory_space<semaphore_mem>>
      %dma_wait3A_769 = arith.constant 0 : i32
      %dma_wait3A_770 = tpu.memref_slice %arg4[%add3A_758, %dma_wait3A_769] : memref<32768x1024xf32, #tpu.memory_space<hbm>> -> memref<8x1024xf32, #tpu.memory_space<hbm>>
      %dma_wait3A_771 = arith.constant 0 : i32
      %dma_wait3A_772 = arith.constant 0 : i32
      %dma_wait3A_773 = tpu.memref_slice %arg6[%dma_wait3A_759, %dma_wait3A_771, %dma_wait3A_772] : memref<8x8x1024xf32, #tpu.memory_space<vmem>> -> memref<1x8x1024xf32, #tpu.memory_space<vmem>>
      %dma_wait3A_774 = tpu.memref_squeeze %dma_wait3A_773 : memref<1x8x1024xf32, #tpu.memory_space<vmem>> -> memref<8x1024xf32, #tpu.memory_space<vmem>>
      tpu.wait_dma2 semaphore(%dma_wait3A_768 : memref<!tpu.dma_semaphore, #tpu.memory_space<semaphore_mem>>) src(%dma_wait3A_774 : memref<8x1024xf32, #tpu.memory_space<vmem>>) dst(%dma_wait3A_770 : memref<8x1024xf32, #tpu.memory_space<hbm>>)
      %add3A_775 = arith.constant 8 : i32
      %add3A_776 = arith.addi %add3A_722, %add3A_775 : i32
      %mul3A_777 = arith.constant 8 : i32
      %mul3A_778 = arith.muli %add3A_776, %mul3A_777 : i32
      %dma_start3A_779 = arith.constant 3 : i32
      %dma_start3A_780 = arith.constant 3 : i32
      %dma_start3A_781 = arith.constant 0 : i32
      %dma_start3A_782 = arith.constant 0 : i32
      %dma_start3A_783 = tpu.memref_slice %arg6[%dma_start3A_779, %dma_start3A_781, %dma_start3A_782] : memref<8x8x1024xf32, #tpu.memory_space<vmem>> -> memref<1x8x1024xf32, #tpu.memory_space<vmem>>
      %dma_start3A_784 = tpu.memref_squeeze %dma_start3A_783 : memref<1x8x1024xf32, #tpu.memory_space<vmem>> -> memref<8x1024xf32, #tpu.memory_space<vmem>>
      %dma_start3A_785 = tpu.memref_slice %arg5[%mul3A_778] : memref<1024xi32, #tpu.memory_space<vmem>> -> memref<8xi32, #tpu.memory_space<vmem>>
      %dma_start3A_786 = arith.constant 0 : i32
      %dma_start3A_787 = arith.constant 0 : i32
      %dma_start3A_788 = tpu.memref_slice %arg3[%dma_start3A_786, %dma_start3A_787] : memref<8192x1024xf32, #tpu.memory_space<hbm>> -> memref<8192x1024xf32, #tpu.memory_space<hbm>>
      %dma_start3A_789 = tpu.memref_slice %arg7[%dma_start3A_780] : memref<8x!tpu.dma_semaphore, #tpu.memory_space<semaphore_mem>> -> memref<1x!tpu.dma_semaphore, #tpu.memory_space<semaphore_mem>>
      %dma_start3A_790 = tpu.memref_squeeze %dma_start3A_789 : memref<1x!tpu.dma_semaphore, #tpu.memory_space<semaphore_mem>> -> memref<!tpu.dma_semaphore, #tpu.memory_space<semaphore_mem>>
      tpu.enqueue_indirect_dma source(%dma_start3A_788 : memref<8192x1024xf32, #tpu.memory_space<hbm>>) target(%dma_start3A_784 : memref<8x1024xf32, #tpu.memory_space<vmem>>) offsets(%dma_start3A_785 : memref<8xi32, #tpu.memory_space<vmem>>) semaphore(%dma_start3A_790 : memref<!tpu.dma_semaphore, #tpu.memory_space<semaphore_mem>>)
      %mul3A_791 = arith.constant 8 : i32
      %mul3A_792 = arith.muli %scan3A_502, %mul3A_791 : i32
      %add3A_793 = arith.constant 4 : i32
      %add3A_794 = arith.addi %mul3A_792, %add3A_793 : i32
      %mul3A_795 = arith.constant 8 : i32
      %mul3A_796 = arith.muli %add3A_794, %mul3A_795 : i32
      %dma_wait3A_797 = arith.constant 4 : i32
      %dma_wait3A_798 = arith.constant 4 : i32
      %dma_wait3A_799 = arith.constant 0 : i32
      %dma_wait3A_800 = arith.constant 0 : i32
      %dma_wait3A_801 = tpu.memref_slice %arg6[%dma_wait3A_797, %dma_wait3A_799, %dma_wait3A_800] : memref<8x8x1024xf32, #tpu.memory_space<vmem>> -> memref<1x8x1024xf32, #tpu.memory_space<vmem>>
      %dma_wait3A_802 = tpu.memref_squeeze %dma_wait3A_801 : memref<1x8x1024xf32, #tpu.memory_space<vmem>> -> memref<8x1024xf32, #tpu.memory_space<vmem>>
      %dma_wait3A_803 = tpu.memref_slice %arg5[%mul3A_796] : memref<1024xi32, #tpu.memory_space<vmem>> -> memref<8xi32, #tpu.memory_space<vmem>>
      %dma_wait3A_804 = arith.constant 0 : i32
      %dma_wait3A_805 = arith.constant 0 : i32
      %dma_wait3A_806 = tpu.memref_slice %arg3[%dma_wait3A_804, %dma_wait3A_805] : memref<8192x1024xf32, #tpu.memory_space<hbm>> -> memref<8192x1024xf32, #tpu.memory_space<hbm>>
      %dma_wait3A_807 = tpu.memref_slice %arg7[%dma_wait3A_798] : memref<8x!tpu.dma_semaphore, #tpu.memory_space<semaphore_mem>> -> memref<1x!tpu.dma_semaphore, #tpu.memory_space<semaphore_mem>>
      %dma_wait3A_808 = tpu.memref_squeeze %dma_wait3A_807 : memref<1x!tpu.dma_semaphore, #tpu.memory_space<semaphore_mem>> -> memref<!tpu.dma_semaphore, #tpu.memory_space<semaphore_mem>>
      tpu.wait_indirect_dma semaphore(%dma_wait3A_808 : memref<!tpu.dma_semaphore, #tpu.memory_space<semaphore_mem>>) src(%dma_wait3A_806 : memref<8192x1024xf32, #tpu.memory_space<hbm>>) dst(%dma_wait3A_802 : memref<8x1024xf32, #tpu.memory_space<vmem>>)
      %mul3A_809 = arith.constant 8 : i32
      %mul3A_810 = arith.muli %add3A_794, %mul3A_809 : i32
      %add3A_811 = arith.addi %mul3A_2, %mul3A_810 : i32
      %dma_start3A_812 = arith.constant 4 : i32
      %dma_start3A_813 = arith.constant 4 : i32
      %dma_start3A_814 = arith.constant 0 : i32
      %dma_start3A_815 = arith.constant 0 : i32
      %dma_start3A_816 = tpu.memref_slice %arg6[%dma_start3A_812, %dma_start3A_814, %dma_start3A_815] : memref<8x8x1024xf32, #tpu.memory_space<vmem>> -> memref<1x8x1024xf32, #tpu.memory_space<vmem>>
      %dma_start3A_817 = tpu.memref_squeeze %dma_start3A_816 : memref<1x8x1024xf32, #tpu.memory_space<vmem>> -> memref<8x1024xf32, #tpu.memory_space<vmem>>
      %dma_start3A_818 = arith.constant 0 : i32
      %dma_start3A_819 = tpu.memref_slice %arg4[%add3A_811, %dma_start3A_818] : memref<32768x1024xf32, #tpu.memory_space<hbm>> -> memref<8x1024xf32, #tpu.memory_space<hbm>>
      %dma_start3A_820 = tpu.memref_slice %arg8[%dma_start3A_813] : memref<8x!tpu.dma_semaphore, #tpu.memory_space<semaphore_mem>> -> memref<1x!tpu.dma_semaphore, #tpu.memory_space<semaphore_mem>>
      %dma_start3A_821 = tpu.memref_squeeze %dma_start3A_820 : memref<1x!tpu.dma_semaphore, #tpu.memory_space<semaphore_mem>> -> memref<!tpu.dma_semaphore, #tpu.memory_space<semaphore_mem>>
      %dma_start3A_822 = arith.constant 0 : i32
      %dma_start3A_823 = tpu.memref_slice %arg4[%add3A_811, %dma_start3A_822] : memref<32768x1024xf32, #tpu.memory_space<hbm>> -> memref<8x1024xf32, #tpu.memory_space<hbm>>
      %dma_start3A_824 = arith.constant 0 : i32
      %dma_start3A_825 = arith.constant 0 : i32
      %dma_start3A_826 = tpu.memref_slice %arg6[%dma_start3A_812, %dma_start3A_824, %dma_start3A_825] : memref<8x8x1024xf32, #tpu.memory_space<vmem>> -> memref<1x8x1024xf32, #tpu.memory_space<vmem>>
      %dma_start3A_827 = tpu.memref_squeeze %dma_start3A_826 : memref<1x8x1024xf32, #tpu.memory_space<vmem>> -> memref<8x1024xf32, #tpu.memory_space<vmem>>
      tpu.enqueue_dma source(%dma_start3A_827 : memref<8x1024xf32, #tpu.memory_space<vmem>>) target(%dma_start3A_823 : memref<8x1024xf32, #tpu.memory_space<hbm>>) target_semaphore(%dma_start3A_821 : memref<!tpu.dma_semaphore, #tpu.memory_space<semaphore_mem>>)
      %mul3A_828 = arith.constant 8 : i32
      %mul3A_829 = arith.muli %add3A_794, %mul3A_828 : i32
      %add3A_830 = arith.addi %mul3A_2, %mul3A_829 : i32
      %dma_wait3A_831 = arith.constant 4 : i32
      %dma_wait3A_832 = arith.constant 4 : i32
      %dma_wait3A_833 = arith.constant 0 : i32
      %dma_wait3A_834 = arith.constant 0 : i32
      %dma_wait3A_835 = tpu.memref_slice %arg6[%dma_wait3A_831, %dma_wait3A_833, %dma_wait3A_834] : memref<8x8x1024xf32, #tpu.memory_space<vmem>> -> memref<1x8x1024xf32, #tpu.memory_space<vmem>>
      %dma_wait3A_836 = tpu.memref_squeeze %dma_wait3A_835 : memref<1x8x1024xf32, #tpu.memory_space<vmem>> -> memref<8x1024xf32, #tpu.memory_space<vmem>>
      %dma_wait3A_837 = arith.constant 0 : i32
      %dma_wait3A_838 = tpu.memref_slice %arg4[%add3A_830, %dma_wait3A_837] : memref<32768x1024xf32, #tpu.memory_space<hbm>> -> memref<8x1024xf32, #tpu.memory_space<hbm>>
      %dma_wait3A_839 = tpu.memref_slice %arg8[%dma_wait3A_832] : memref<8x!tpu.dma_semaphore, #tpu.memory_space<semaphore_mem>> -> memref<1x!tpu.dma_semaphore, #tpu.memory_space<semaphore_mem>>
      %dma_wait3A_840 = tpu.memref_squeeze %dma_wait3A_839 : memref<1x!tpu.dma_semaphore, #tpu.memory_space<semaphore_mem>> -> memref<!tpu.dma_semaphore, #tpu.memory_space<semaphore_mem>>
      %dma_wait3A_841 = arith.constant 0 : i32
      %dma_wait3A_842 = tpu.memref_slice %arg4[%add3A_830, %dma_wait3A_841] : memref<32768x1024xf32, #tpu.memory_space<hbm>> -> memref<8x1024xf32, #tpu.memory_space<hbm>>
      %dma_wait3A_843 = arith.constant 0 : i32
      %dma_wait3A_844 = arith.constant 0 : i32
      %dma_wait3A_845 = tpu.memref_slice %arg6[%dma_wait3A_831, %dma_wait3A_843, %dma_wait3A_844] : memref<8x8x1024xf32, #tpu.memory_space<vmem>> -> memref<1x8x1024xf32, #tpu.memory_space<vmem>>
      %dma_wait3A_846 = tpu.memref_squeeze %dma_wait3A_845 : memref<1x8x1024xf32, #tpu.memory_space<vmem>> -> memref<8x1024xf32, #tpu.memory_space<vmem>>
      tpu.wait_dma2 semaphore(%dma_wait3A_840 : memref<!tpu.dma_semaphore, #tpu.memory_space<semaphore_mem>>) src(%dma_wait3A_846 : memref<8x1024xf32, #tpu.memory_space<vmem>>) dst(%dma_wait3A_842 : memref<8x1024xf32, #tpu.memory_space<hbm>>)
      %add3A_847 = arith.constant 8 : i32
      %add3A_848 = arith.addi %add3A_794, %add3A_847 : i32
      %mul3A_849 = arith.constant 8 : i32
      %mul3A_850 = arith.muli %add3A_848, %mul3A_849 : i32
      %dma_start3A_851 = arith.constant 4 : i32
      %dma_start3A_852 = arith.constant 4 : i32
      %dma_start3A_853 = arith.constant 0 : i32
      %dma_start3A_854 = arith.constant 0 : i32
      %dma_start3A_855 = tpu.memref_slice %arg6[%dma_start3A_851, %dma_start3A_853, %dma_start3A_854] : memref<8x8x1024xf32, #tpu.memory_space<vmem>> -> memref<1x8x1024xf32, #tpu.memory_space<vmem>>
      %dma_start3A_856 = tpu.memref_squeeze %dma_start3A_855 : memref<1x8x1024xf32, #tpu.memory_space<vmem>> -> memref<8x1024xf32, #tpu.memory_space<vmem>>
      %dma_start3A_857 = tpu.memref_slice %arg5[%mul3A_850] : memref<1024xi32, #tpu.memory_space<vmem>> -> memref<8xi32, #tpu.memory_space<vmem>>
      %dma_start3A_858 = arith.constant 0 : i32
      %dma_start3A_859 = arith.constant 0 : i32
      %dma_start3A_860 = tpu.memref_slice %arg3[%dma_start3A_858, %dma_start3A_859] : memref<8192x1024xf32, #tpu.memory_space<hbm>> -> memref<8192x1024xf32, #tpu.memory_space<hbm>>
      %dma_start3A_861 = tpu.memref_slice %arg7[%dma_start3A_852] : memref<8x!tpu.dma_semaphore, #tpu.memory_space<semaphore_mem>> -> memref<1x!tpu.dma_semaphore, #tpu.memory_space<semaphore_mem>>
      %dma_start3A_862 = tpu.memref_squeeze %dma_start3A_861 : memref<1x!tpu.dma_semaphore, #tpu.memory_space<semaphore_mem>> -> memref<!tpu.dma_semaphore, #tpu.memory_space<semaphore_mem>>
      tpu.enqueue_indirect_dma source(%dma_start3A_860 : memref<8192x1024xf32, #tpu.memory_space<hbm>>) target(%dma_start3A_856 : memref<8x1024xf32, #tpu.memory_space<vmem>>) offsets(%dma_start3A_857 : memref<8xi32, #tpu.memory_space<vmem>>) semaphore(%dma_start3A_862 : memref<!tpu.dma_semaphore, #tpu.memory_space<semaphore_mem>>)
      %mul3A_863 = arith.constant 8 : i32
      %mul3A_864 = arith.muli %scan3A_502, %mul3A_863 : i32
      %add3A_865 = arith.constant 5 : i32
      %add3A_866 = arith.addi %mul3A_864, %add3A_865 : i32
      %mul3A_867 = arith.constant 8 : i32
      %mul3A_868 = arith.muli %add3A_866, %mul3A_867 : i32
      %dma_wait3A_869 = arith.constant 5 : i32
      %dma_wait3A_870 = arith.constant 5 : i32
      %dma_wait3A_871 = arith.constant 0 : i32
      %dma_wait3A_872 = arith.constant 0 : i32
      %dma_wait3A_873 = tpu.memref_slice %arg6[%dma_wait3A_869, %dma_wait3A_871, %dma_wait3A_872] : memref<8x8x1024xf32, #tpu.memory_space<vmem>> -> memref<1x8x1024xf32, #tpu.memory_space<vmem>>
      %dma_wait3A_874 = tpu.memref_squeeze %dma_wait3A_873 : memref<1x8x1024xf32, #tpu.memory_space<vmem>> -> memref<8x1024xf32, #tpu.memory_space<vmem>>
      %dma_wait3A_875 = tpu.memref_slice %arg5[%mul3A_868] : memref<1024xi32, #tpu.memory_space<vmem>> -> memref<8xi32, #tpu.memory_space<vmem>>
      %dma_wait3A_876 = arith.constant 0 : i32
      %dma_wait3A_877 = arith.constant 0 : i32
      %dma_wait3A_878 = tpu.memref_slice %arg3[%dma_wait3A_876, %dma_wait3A_877] : memref<8192x1024xf32, #tpu.memory_space<hbm>> -> memref<8192x1024xf32, #tpu.memory_space<hbm>>
      %dma_wait3A_879 = tpu.memref_slice %arg7[%dma_wait3A_870] : memref<8x!tpu.dma_semaphore, #tpu.memory_space<semaphore_mem>> -> memref<1x!tpu.dma_semaphore, #tpu.memory_space<semaphore_mem>>
      %dma_wait3A_880 = tpu.memref_squeeze %dma_wait3A_879 : memref<1x!tpu.dma_semaphore, #tpu.memory_space<semaphore_mem>> -> memref<!tpu.dma_semaphore, #tpu.memory_space<semaphore_mem>>
      tpu.wait_indirect_dma semaphore(%dma_wait3A_880 : memref<!tpu.dma_semaphore, #tpu.memory_space<semaphore_mem>>) src(%dma_wait3A_878 : memref<8192x1024xf32, #tpu.memory_space<hbm>>) dst(%dma_wait3A_874 : memref<8x1024xf32, #tpu.memory_space<vmem>>)
      %mul3A_881 = arith.constant 8 : i32
      %mul3A_882 = arith.muli %add3A_866, %mul3A_881 : i32
      %add3A_883 = arith.addi %mul3A_2, %mul3A_882 : i32
      %dma_start3A_884 = arith.constant 5 : i32
      %dma_start3A_885 = arith.constant 5 : i32
      %dma_start3A_886 = arith.constant 0 : i32
      %dma_start3A_887 = arith.constant 0 : i32
      %dma_start3A_888 = tpu.memref_slice %arg6[%dma_start3A_884, %dma_start3A_886, %dma_start3A_887] : memref<8x8x1024xf32, #tpu.memory_space<vmem>> -> memref<1x8x1024xf32, #tpu.memory_space<vmem>>
      %dma_start3A_889 = tpu.memref_squeeze %dma_start3A_888 : memref<1x8x1024xf32, #tpu.memory_space<vmem>> -> memref<8x1024xf32, #tpu.memory_space<vmem>>
      %dma_start3A_890 = arith.constant 0 : i32
      %dma_start3A_891 = tpu.memref_slice %arg4[%add3A_883, %dma_start3A_890] : memref<32768x1024xf32, #tpu.memory_space<hbm>> -> memref<8x1024xf32, #tpu.memory_space<hbm>>
      %dma_start3A_892 = tpu.memref_slice %arg8[%dma_start3A_885] : memref<8x!tpu.dma_semaphore, #tpu.memory_space<semaphore_mem>> -> memref<1x!tpu.dma_semaphore, #tpu.memory_space<semaphore_mem>>
      %dma_start3A_893 = tpu.memref_squeeze %dma_start3A_892 : memref<1x!tpu.dma_semaphore, #tpu.memory_space<semaphore_mem>> -> memref<!tpu.dma_semaphore, #tpu.memory_space<semaphore_mem>>
      %dma_start3A_894 = arith.constant 0 : i32
      %dma_start3A_895 = tpu.memref_slice %arg4[%add3A_883, %dma_start3A_894] : memref<32768x1024xf32, #tpu.memory_space<hbm>> -> memref<8x1024xf32, #tpu.memory_space<hbm>>
      %dma_start3A_896 = arith.constant 0 : i32
      %dma_start3A_897 = arith.constant 0 : i32
      %dma_start3A_898 = tpu.memref_slice %arg6[%dma_start3A_884, %dma_start3A_896, %dma_start3A_897] : memref<8x8x1024xf32, #tpu.memory_space<vmem>> -> memref<1x8x1024xf32, #tpu.memory_space<vmem>>
      %dma_start3A_899 = tpu.memref_squeeze %dma_start3A_898 : memref<1x8x1024xf32, #tpu.memory_space<vmem>> -> memref<8x1024xf32, #tpu.memory_space<vmem>>
      tpu.enqueue_dma source(%dma_start3A_899 : memref<8x1024xf32, #tpu.memory_space<vmem>>) target(%dma_start3A_895 : memref<8x1024xf32, #tpu.memory_space<hbm>>) target_semaphore(%dma_start3A_893 : memref<!tpu.dma_semaphore, #tpu.memory_space<semaphore_mem>>)
      %mul3A_900 = arith.constant 8 : i32
      %mul3A_901 = arith.muli %add3A_866, %mul3A_900 : i32
      %add3A_902 = arith.addi %mul3A_2, %mul3A_901 : i32
      %dma_wait3A_903 = arith.constant 5 : i32
      %dma_wait3A_904 = arith.constant 5 : i32
      %dma_wait3A_905 = arith.constant 0 : i32
      %dma_wait3A_906 = arith.constant 0 : i32
      %dma_wait3A_907 = tpu.memref_slice %arg6[%dma_wait3A_903, %dma_wait3A_905, %dma_wait3A_906] : memref<8x8x1024xf32, #tpu.memory_space<vmem>> -> memref<1x8x1024xf32, #tpu.memory_space<vmem>>
      %dma_wait3A_908 = tpu.memref_squeeze %dma_wait3A_907 : memref<1x8x1024xf32, #tpu.memory_space<vmem>> -> memref<8x1024xf32, #tpu.memory_space<vmem>>
      %dma_wait3A_909 = arith.constant 0 : i32
      %dma_wait3A_910 = tpu.memref_slice %arg4[%add3A_902, %dma_wait3A_909] : memref<32768x1024xf32, #tpu.memory_space<hbm>> -> memref<8x1024xf32, #tpu.memory_space<hbm>>
      %dma_wait3A_911 = tpu.memref_slice %arg8[%dma_wait3A_904] : memref<8x!tpu.dma_semaphore, #tpu.memory_space<semaphore_mem>> -> memref<1x!tpu.dma_semaphore, #tpu.memory_space<semaphore_mem>>
      %dma_wait3A_912 = tpu.memref_squeeze %dma_wait3A_911 : memref<1x!tpu.dma_semaphore, #tpu.memory_space<semaphore_mem>> -> memref<!tpu.dma_semaphore, #tpu.memory_space<semaphore_mem>>
      %dma_wait3A_913 = arith.constant 0 : i32
      %dma_wait3A_914 = tpu.memref_slice %arg4[%add3A_902, %dma_wait3A_913] : memref<32768x1024xf32, #tpu.memory_space<hbm>> -> memref<8x1024xf32, #tpu.memory_space<hbm>>
      %dma_wait3A_915 = arith.constant 0 : i32
      %dma_wait3A_916 = arith.constant 0 : i32
      %dma_wait3A_917 = tpu.memref_slice %arg6[%dma_wait3A_903, %dma_wait3A_915, %dma_wait3A_916] : memref<8x8x1024xf32, #tpu.memory_space<vmem>> -> memref<1x8x1024xf32, #tpu.memory_space<vmem>>
      %dma_wait3A_918 = tpu.memref_squeeze %dma_wait3A_917 : memref<1x8x1024xf32, #tpu.memory_space<vmem>> -> memref<8x1024xf32, #tpu.memory_space<vmem>>
      tpu.wait_dma2 semaphore(%dma_wait3A_912 : memref<!tpu.dma_semaphore, #tpu.memory_space<semaphore_mem>>) src(%dma_wait3A_918 : memref<8x1024xf32, #tpu.memory_space<vmem>>) dst(%dma_wait3A_914 : memref<8x1024xf32, #tpu.memory_space<hbm>>)
      %add3A_919 = arith.constant 8 : i32
      %add3A_920 = arith.addi %add3A_866, %add3A_919 : i32
      %mul3A_921 = arith.constant 8 : i32
      %mul3A_922 = arith.muli %add3A_920, %mul3A_921 : i32
      %dma_start3A_923 = arith.constant 5 : i32
      %dma_start3A_924 = arith.constant 5 : i32
      %dma_start3A_925 = arith.constant 0 : i32
      %dma_start3A_926 = arith.constant 0 : i32
      %dma_start3A_927 = tpu.memref_slice %arg6[%dma_start3A_923, %dma_start3A_925, %dma_start3A_926] : memref<8x8x1024xf32, #tpu.memory_space<vmem>> -> memref<1x8x1024xf32, #tpu.memory_space<vmem>>
      %dma_start3A_928 = tpu.memref_squeeze %dma_start3A_927 : memref<1x8x1024xf32, #tpu.memory_space<vmem>> -> memref<8x1024xf32, #tpu.memory_space<vmem>>
      %dma_start3A_929 = tpu.memref_slice %arg5[%mul3A_922] : memref<1024xi32, #tpu.memory_space<vmem>> -> memref<8xi32, #tpu.memory_space<vmem>>
      %dma_start3A_930 = arith.constant 0 : i32
      %dma_start3A_931 = arith.constant 0 : i32
      %dma_start3A_932 = tpu.memref_slice %arg3[%dma_start3A_930, %dma_start3A_931] : memref<8192x1024xf32, #tpu.memory_space<hbm>> -> memref<8192x1024xf32, #tpu.memory_space<hbm>>
      %dma_start3A_933 = tpu.memref_slice %arg7[%dma_start3A_924] : memref<8x!tpu.dma_semaphore, #tpu.memory_space<semaphore_mem>> -> memref<1x!tpu.dma_semaphore, #tpu.memory_space<semaphore_mem>>
      %dma_start3A_934 = tpu.memref_squeeze %dma_start3A_933 : memref<1x!tpu.dma_semaphore, #tpu.memory_space<semaphore_mem>> -> memref<!tpu.dma_semaphore, #tpu.memory_space<semaphore_mem>>
      tpu.enqueue_indirect_dma source(%dma_start3A_932 : memref<8192x1024xf32, #tpu.memory_space<hbm>>) target(%dma_start3A_928 : memref<8x1024xf32, #tpu.memory_space<vmem>>) offsets(%dma_start3A_929 : memref<8xi32, #tpu.memory_space<vmem>>) semaphore(%dma_start3A_934 : memref<!tpu.dma_semaphore, #tpu.memory_space<semaphore_mem>>)
      %mul3A_935 = arith.constant 8 : i32
      %mul3A_936 = arith.muli %scan3A_502, %mul3A_935 : i32
      %add3A_937 = arith.constant 6 : i32
      %add3A_938 = arith.addi %mul3A_936, %add3A_937 : i32
      %mul3A_939 = arith.constant 8 : i32
      %mul3A_940 = arith.muli %add3A_938, %mul3A_939 : i32
      %dma_wait3A_941 = arith.constant 6 : i32
      %dma_wait3A_942 = arith.constant 6 : i32
      %dma_wait3A_943 = arith.constant 0 : i32
      %dma_wait3A_944 = arith.constant 0 : i32
      %dma_wait3A_945 = tpu.memref_slice %arg6[%dma_wait3A_941, %dma_wait3A_943, %dma_wait3A_944] : memref<8x8x1024xf32, #tpu.memory_space<vmem>> -> memref<1x8x1024xf32, #tpu.memory_space<vmem>>
      %dma_wait3A_946 = tpu.memref_squeeze %dma_wait3A_945 : memref<1x8x1024xf32, #tpu.memory_space<vmem>> -> memref<8x1024xf32, #tpu.memory_space<vmem>>
      %dma_wait3A_947 = tpu.memref_slice %arg5[%mul3A_940] : memref<1024xi32, #tpu.memory_space<vmem>> -> memref<8xi32, #tpu.memory_space<vmem>>
      %dma_wait3A_948 = arith.constant 0 : i32
      %dma_wait3A_949 = arith.constant 0 : i32
      %dma_wait3A_950 = tpu.memref_slice %arg3[%dma_wait3A_948, %dma_wait3A_949] : memref<8192x1024xf32, #tpu.memory_space<hbm>> -> memref<8192x1024xf32, #tpu.memory_space<hbm>>
      %dma_wait3A_951 = tpu.memref_slice %arg7[%dma_wait3A_942] : memref<8x!tpu.dma_semaphore, #tpu.memory_space<semaphore_mem>> -> memref<1x!tpu.dma_semaphore, #tpu.memory_space<semaphore_mem>>
      %dma_wait3A_952 = tpu.memref_squeeze %dma_wait3A_951 : memref<1x!tpu.dma_semaphore, #tpu.memory_space<semaphore_mem>> -> memref<!tpu.dma_semaphore, #tpu.memory_space<semaphore_mem>>
      tpu.wait_indirect_dma semaphore(%dma_wait3A_952 : memref<!tpu.dma_semaphore, #tpu.memory_space<semaphore_mem>>) src(%dma_wait3A_950 : memref<8192x1024xf32, #tpu.memory_space<hbm>>) dst(%dma_wait3A_946 : memref<8x1024xf32, #tpu.memory_space<vmem>>)
      %mul3A_953 = arith.constant 8 : i32
      %mul3A_954 = arith.muli %add3A_938, %mul3A_953 : i32
      %add3A_955 = arith.addi %mul3A_2, %mul3A_954 : i32
      %dma_start3A_956 = arith.constant 6 : i32
      %dma_start3A_957 = arith.constant 6 : i32
      %dma_start3A_958 = arith.constant 0 : i32
      %dma_start3A_959 = arith.constant 0 : i32
      %dma_start3A_960 = tpu.memref_slice %arg6[%dma_start3A_956, %dma_start3A_958, %dma_start3A_959] : memref<8x8x1024xf32, #tpu.memory_space<vmem>> -> memref<1x8x1024xf32, #tpu.memory_space<vmem>>
      %dma_start3A_961 = tpu.memref_squeeze %dma_start3A_960 : memref<1x8x1024xf32, #tpu.memory_space<vmem>> -> memref<8x1024xf32, #tpu.memory_space<vmem>>
      %dma_start3A_962 = arith.constant 0 : i32
      %dma_start3A_963 = tpu.memref_slice %arg4[%add3A_955, %dma_start3A_962] : memref<32768x1024xf32, #tpu.memory_space<hbm>> -> memref<8x1024xf32, #tpu.memory_space<hbm>>
      %dma_start3A_964 = tpu.memref_slice %arg8[%dma_start3A_957] : memref<8x!tpu.dma_semaphore, #tpu.memory_space<semaphore_mem>> -> memref<1x!tpu.dma_semaphore, #tpu.memory_space<semaphore_mem>>
      %dma_start3A_965 = tpu.memref_squeeze %dma_start3A_964 : memref<1x!tpu.dma_semaphore, #tpu.memory_space<semaphore_mem>> -> memref<!tpu.dma_semaphore, #tpu.memory_space<semaphore_mem>>
      %dma_start3A_966 = arith.constant 0 : i32
      %dma_start3A_967 = tpu.memref_slice %arg4[%add3A_955, %dma_start3A_966] : memref<32768x1024xf32, #tpu.memory_space<hbm>> -> memref<8x1024xf32, #tpu.memory_space<hbm>>
      %dma_start3A_968 = arith.constant 0 : i32
      %dma_start3A_969 = arith.constant 0 : i32
      %dma_start3A_970 = tpu.memref_slice %arg6[%dma_start3A_956, %dma_start3A_968, %dma_start3A_969] : memref<8x8x1024xf32, #tpu.memory_space<vmem>> -> memref<1x8x1024xf32, #tpu.memory_space<vmem>>
      %dma_start3A_971 = tpu.memref_squeeze %dma_start3A_970 : memref<1x8x1024xf32, #tpu.memory_space<vmem>> -> memref<8x1024xf32, #tpu.memory_space<vmem>>
      tpu.enqueue_dma source(%dma_start3A_971 : memref<8x1024xf32, #tpu.memory_space<vmem>>) target(%dma_start3A_967 : memref<8x1024xf32, #tpu.memory_space<hbm>>) target_semaphore(%dma_start3A_965 : memref<!tpu.dma_semaphore, #tpu.memory_space<semaphore_mem>>)
      %mul3A_972 = arith.constant 8 : i32
      %mul3A_973 = arith.muli %add3A_938, %mul3A_972 : i32
      %add3A_974 = arith.addi %mul3A_2, %mul3A_973 : i32
      %dma_wait3A_975 = arith.constant 6 : i32
      %dma_wait3A_976 = arith.constant 6 : i32
      %dma_wait3A_977 = arith.constant 0 : i32
      %dma_wait3A_978 = arith.constant 0 : i32
      %dma_wait3A_979 = tpu.memref_slice %arg6[%dma_wait3A_975, %dma_wait3A_977, %dma_wait3A_978] : memref<8x8x1024xf32, #tpu.memory_space<vmem>> -> memref<1x8x1024xf32, #tpu.memory_space<vmem>>
      %dma_wait3A_980 = tpu.memref_squeeze %dma_wait3A_979 : memref<1x8x1024xf32, #tpu.memory_space<vmem>> -> memref<8x1024xf32, #tpu.memory_space<vmem>>
      %dma_wait3A_981 = arith.constant 0 : i32
      %dma_wait3A_982 = tpu.memref_slice %arg4[%add3A_974, %dma_wait3A_981] : memref<32768x1024xf32, #tpu.memory_space<hbm>> -> memref<8x1024xf32, #tpu.memory_space<hbm>>
      %dma_wait3A_983 = tpu.memref_slice %arg8[%dma_wait3A_976] : memref<8x!tpu.dma_semaphore, #tpu.memory_space<semaphore_mem>> -> memref<1x!tpu.dma_semaphore, #tpu.memory_space<semaphore_mem>>
      %dma_wait3A_984 = tpu.memref_squeeze %dma_wait3A_983 : memref<1x!tpu.dma_semaphore, #tpu.memory_space<semaphore_mem>> -> memref<!tpu.dma_semaphore, #tpu.memory_space<semaphore_mem>>
      %dma_wait3A_985 = arith.constant 0 : i32
      %dma_wait3A_986 = tpu.memref_slice %arg4[%add3A_974, %dma_wait3A_985] : memref<32768x1024xf32, #tpu.memory_space<hbm>> -> memref<8x1024xf32, #tpu.memory_space<hbm>>
      %dma_wait3A_987 = arith.constant 0 : i32
      %dma_wait3A_988 = arith.constant 0 : i32
      %dma_wait3A_989 = tpu.memref_slice %arg6[%dma_wait3A_975, %dma_wait3A_987, %dma_wait3A_988] : memref<8x8x1024xf32, #tpu.memory_space<vmem>> -> memref<1x8x1024xf32, #tpu.memory_space<vmem>>
      %dma_wait3A_990 = tpu.memref_squeeze %dma_wait3A_989 : memref<1x8x1024xf32, #tpu.memory_space<vmem>> -> memref<8x1024xf32, #tpu.memory_space<vmem>>
      tpu.wait_dma2 semaphore(%dma_wait3A_984 : memref<!tpu.dma_semaphore, #tpu.memory_space<semaphore_mem>>) src(%dma_wait3A_990 : memref<8x1024xf32, #tpu.memory_space<vmem>>) dst(%dma_wait3A_986 : memref<8x1024xf32, #tpu.memory_space<hbm>>)
      %add3A_991 = arith.constant 8 : i32
      %add3A_992 = arith.addi %add3A_938, %add3A_991 : i32
      %mul3A_993 = arith.constant 8 : i32
      %mul3A_994 = arith.muli %add3A_992, %mul3A_993 : i32
      %dma_start3A_995 = arith.constant 6 : i32
      %dma_start3A_996 = arith.constant 6 : i32
      %dma_start3A_997 = arith.constant 0 : i32
      %dma_start3A_998 = arith.constant 0 : i32
      %dma_start3A_999 = tpu.memref_slice %arg6[%dma_start3A_995, %dma_start3A_997, %dma_start3A_998] : memref<8x8x1024xf32, #tpu.memory_space<vmem>> -> memref<1x8x1024xf32, #tpu.memory_space<vmem>>
      %dma_start3A_1000 = tpu.memref_squeeze %dma_start3A_999 : memref<1x8x1024xf32, #tpu.memory_space<vmem>> -> memref<8x1024xf32, #tpu.memory_space<vmem>>
      %dma_start3A_1001 = tpu.memref_slice %arg5[%mul3A_994] : memref<1024xi32, #tpu.memory_space<vmem>> -> memref<8xi32, #tpu.memory_space<vmem>>
      %dma_start3A_1002 = arith.constant 0 : i32
      %dma_start3A_1003 = arith.constant 0 : i32
      %dma_start3A_1004 = tpu.memref_slice %arg3[%dma_start3A_1002, %dma_start3A_1003] : memref<8192x1024xf32, #tpu.memory_space<hbm>> -> memref<8192x1024xf32, #tpu.memory_space<hbm>>
      %dma_start3A_1005 = tpu.memref_slice %arg7[%dma_start3A_996] : memref<8x!tpu.dma_semaphore, #tpu.memory_space<semaphore_mem>> -> memref<1x!tpu.dma_semaphore, #tpu.memory_space<semaphore_mem>>
      %dma_start3A_1006 = tpu.memref_squeeze %dma_start3A_1005 : memref<1x!tpu.dma_semaphore, #tpu.memory_space<semaphore_mem>> -> memref<!tpu.dma_semaphore, #tpu.memory_space<semaphore_mem>>
      tpu.enqueue_indirect_dma source(%dma_start3A_1004 : memref<8192x1024xf32, #tpu.memory_space<hbm>>) target(%dma_start3A_1000 : memref<8x1024xf32, #tpu.memory_space<vmem>>) offsets(%dma_start3A_1001 : memref<8xi32, #tpu.memory_space<vmem>>) semaphore(%dma_start3A_1006 : memref<!tpu.dma_semaphore, #tpu.memory_space<semaphore_mem>>)
      %mul3A_1007 = arith.constant 8 : i32
      %mul3A_1008 = arith.muli %scan3A_502, %mul3A_1007 : i32
      %add3A_1009 = arith.constant 7 : i32
      %add3A_1010 = arith.addi %mul3A_1008, %add3A_1009 : i32
      %mul3A_1011 = arith.constant 8 : i32
      %mul3A_1012 = arith.muli %add3A_1010, %mul3A_1011 : i32
      %dma_wait3A_1013 = arith.constant 7 : i32
      %dma_wait3A_1014 = arith.constant 7 : i32
      %dma_wait3A_1015 = arith.constant 0 : i32
      %dma_wait3A_1016 = arith.constant 0 : i32
      %dma_wait3A_1017 = tpu.memref_slice %arg6[%dma_wait3A_1013, %dma_wait3A_1015, %dma_wait3A_1016] : memref<8x8x1024xf32, #tpu.memory_space<vmem>> -> memref<1x8x1024xf32, #tpu.memory_space<vmem>>
      %dma_wait3A_1018 = tpu.memref_squeeze %dma_wait3A_1017 : memref<1x8x1024xf32, #tpu.memory_space<vmem>> -> memref<8x1024xf32, #tpu.memory_space<vmem>>
      %dma_wait3A_1019 = tpu.memref_slice %arg5[%mul3A_1012] : memref<1024xi32, #tpu.memory_space<vmem>> -> memref<8xi32, #tpu.memory_space<vmem>>
      %dma_wait3A_1020 = arith.constant 0 : i32
      %dma_wait3A_1021 = arith.constant 0 : i32
      %dma_wait3A_1022 = tpu.memref_slice %arg3[%dma_wait3A_1020, %dma_wait3A_1021] : memref<8192x1024xf32, #tpu.memory_space<hbm>> -> memref<8192x1024xf32, #tpu.memory_space<hbm>>
      %dma_wait3A_1023 = tpu.memref_slice %arg7[%dma_wait3A_1014] : memref<8x!tpu.dma_semaphore, #tpu.memory_space<semaphore_mem>> -> memref<1x!tpu.dma_semaphore, #tpu.memory_space<semaphore_mem>>
      %dma_wait3A_1024 = tpu.memref_squeeze %dma_wait3A_1023 : memref<1x!tpu.dma_semaphore, #tpu.memory_space<semaphore_mem>> -> memref<!tpu.dma_semaphore, #tpu.memory_space<semaphore_mem>>
      tpu.wait_indirect_dma semaphore(%dma_wait3A_1024 : memref<!tpu.dma_semaphore, #tpu.memory_space<semaphore_mem>>) src(%dma_wait3A_1022 : memref<8192x1024xf32, #tpu.memory_space<hbm>>) dst(%dma_wait3A_1018 : memref<8x1024xf32, #tpu.memory_space<vmem>>)
      %mul3A_1025 = arith.constant 8 : i32
      %mul3A_1026 = arith.muli %add3A_1010, %mul3A_1025 : i32
      %add3A_1027 = arith.addi %mul3A_2, %mul3A_1026 : i32
      %dma_start3A_1028 = arith.constant 7 : i32
      %dma_start3A_1029 = arith.constant 7 : i32
      %dma_start3A_1030 = arith.constant 0 : i32
      %dma_start3A_1031 = arith.constant 0 : i32
      %dma_start3A_1032 = tpu.memref_slice %arg6[%dma_start3A_1028, %dma_start3A_1030, %dma_start3A_1031] : memref<8x8x1024xf32, #tpu.memory_space<vmem>> -> memref<1x8x1024xf32, #tpu.memory_space<vmem>>
      %dma_start3A_1033 = tpu.memref_squeeze %dma_start3A_1032 : memref<1x8x1024xf32, #tpu.memory_space<vmem>> -> memref<8x1024xf32, #tpu.memory_space<vmem>>
      %dma_start3A_1034 = arith.constant 0 : i32
      %dma_start3A_1035 = tpu.memref_slice %arg4[%add3A_1027, %dma_start3A_1034] : memref<32768x1024xf32, #tpu.memory_space<hbm>> -> memref<8x1024xf32, #tpu.memory_space<hbm>>
      %dma_start3A_1036 = tpu.memref_slice %arg8[%dma_start3A_1029] : memref<8x!tpu.dma_semaphore, #tpu.memory_space<semaphore_mem>> -> memref<1x!tpu.dma_semaphore, #tpu.memory_space<semaphore_mem>>
      %dma_start3A_1037 = tpu.memref_squeeze %dma_start3A_1036 : memref<1x!tpu.dma_semaphore, #tpu.memory_space<semaphore_mem>> -> memref<!tpu.dma_semaphore, #tpu.memory_space<semaphore_mem>>
      %dma_start3A_1038 = arith.constant 0 : i32
      %dma_start3A_1039 = tpu.memref_slice %arg4[%add3A_1027, %dma_start3A_1038] : memref<32768x1024xf32, #tpu.memory_space<hbm>> -> memref<8x1024xf32, #tpu.memory_space<hbm>>
      %dma_start3A_1040 = arith.constant 0 : i32
      %dma_start3A_1041 = arith.constant 0 : i32
      %dma_start3A_1042 = tpu.memref_slice %arg6[%dma_start3A_1028, %dma_start3A_1040, %dma_start3A_1041] : memref<8x8x1024xf32, #tpu.memory_space<vmem>> -> memref<1x8x1024xf32, #tpu.memory_space<vmem>>
      %dma_start3A_1043 = tpu.memref_squeeze %dma_start3A_1042 : memref<1x8x1024xf32, #tpu.memory_space<vmem>> -> memref<8x1024xf32, #tpu.memory_space<vmem>>
      tpu.enqueue_dma source(%dma_start3A_1043 : memref<8x1024xf32, #tpu.memory_space<vmem>>) target(%dma_start3A_1039 : memref<8x1024xf32, #tpu.memory_space<hbm>>) target_semaphore(%dma_start3A_1037 : memref<!tpu.dma_semaphore, #tpu.memory_space<semaphore_mem>>)
      %mul3A_1044 = arith.constant 8 : i32
      %mul3A_1045 = arith.muli %add3A_1010, %mul3A_1044 : i32
      %add3A_1046 = arith.addi %mul3A_2, %mul3A_1045 : i32
      %dma_wait3A_1047 = arith.constant 7 : i32
      %dma_wait3A_1048 = arith.constant 7 : i32
      %dma_wait3A_1049 = arith.constant 0 : i32
      %dma_wait3A_1050 = arith.constant 0 : i32
      %dma_wait3A_1051 = tpu.memref_slice %arg6[%dma_wait3A_1047, %dma_wait3A_1049, %dma_wait3A_1050] : memref<8x8x1024xf32, #tpu.memory_space<vmem>> -> memref<1x8x1024xf32, #tpu.memory_space<vmem>>
      %dma_wait3A_1052 = tpu.memref_squeeze %dma_wait3A_1051 : memref<1x8x1024xf32, #tpu.memory_space<vmem>> -> memref<8x1024xf32, #tpu.memory_space<vmem>>
      %dma_wait3A_1053 = arith.constant 0 : i32
      %dma_wait3A_1054 = tpu.memref_slice %arg4[%add3A_1046, %dma_wait3A_1053] : memref<32768x1024xf32, #tpu.memory_space<hbm>> -> memref<8x1024xf32, #tpu.memory_space<hbm>>
      %dma_wait3A_1055 = tpu.memref_slice %arg8[%dma_wait3A_1048] : memref<8x!tpu.dma_semaphore, #tpu.memory_space<semaphore_mem>> -> memref<1x!tpu.dma_semaphore, #tpu.memory_space<semaphore_mem>>
      %dma_wait3A_1056 = tpu.memref_squeeze %dma_wait3A_1055 : memref<1x!tpu.dma_semaphore, #tpu.memory_space<semaphore_mem>> -> memref<!tpu.dma_semaphore, #tpu.memory_space<semaphore_mem>>
      %dma_wait3A_1057 = arith.constant 0 : i32
      %dma_wait3A_1058 = tpu.memref_slice %arg4[%add3A_1046, %dma_wait3A_1057] : memref<32768x1024xf32, #tpu.memory_space<hbm>> -> memref<8x1024xf32, #tpu.memory_space<hbm>>
      %dma_wait3A_1059 = arith.constant 0 : i32
      %dma_wait3A_1060 = arith.constant 0 : i32
      %dma_wait3A_1061 = tpu.memref_slice %arg6[%dma_wait3A_1047, %dma_wait3A_1059, %dma_wait3A_1060] : memref<8x8x1024xf32, #tpu.memory_space<vmem>> -> memref<1x8x1024xf32, #tpu.memory_space<vmem>>
      %dma_wait3A_1062 = tpu.memref_squeeze %dma_wait3A_1061 : memref<1x8x1024xf32, #tpu.memory_space<vmem>> -> memref<8x1024xf32, #tpu.memory_space<vmem>>
      tpu.wait_dma2 semaphore(%dma_wait3A_1056 : memref<!tpu.dma_semaphore, #tpu.memory_space<semaphore_mem>>) src(%dma_wait3A_1062 : memref<8x1024xf32, #tpu.memory_space<vmem>>) dst(%dma_wait3A_1058 : memref<8x1024xf32, #tpu.memory_space<hbm>>)
      %add3A_1063 = arith.constant 8 : i32
      %add3A_1064 = arith.addi %add3A_1010, %add3A_1063 : i32
      %mul3A_1065 = arith.constant 8 : i32
      %mul3A_1066 = arith.muli %add3A_1064, %mul3A_1065 : i32
      %dma_start3A_1067 = arith.constant 7 : i32
      %dma_start3A_1068 = arith.constant 7 : i32
      %dma_start3A_1069 = arith.constant 0 : i32
      %dma_start3A_1070 = arith.constant 0 : i32
      %dma_start3A_1071 = tpu.memref_slice %arg6[%dma_start3A_1067, %dma_start3A_1069, %dma_start3A_1070] : memref<8x8x1024xf32, #tpu.memory_space<vmem>> -> memref<1x8x1024xf32, #tpu.memory_space<vmem>>
      %dma_start3A_1072 = tpu.memref_squeeze %dma_start3A_1071 : memref<1x8x1024xf32, #tpu.memory_space<vmem>> -> memref<8x1024xf32, #tpu.memory_space<vmem>>
      %dma_start3A_1073 = tpu.memref_slice %arg5[%mul3A_1066] : memref<1024xi32, #tpu.memory_space<vmem>> -> memref<8xi32, #tpu.memory_space<vmem>>
      %dma_start3A_1074 = arith.constant 0 : i32
      %dma_start3A_1075 = arith.constant 0 : i32
      %dma_start3A_1076 = tpu.memref_slice %arg3[%dma_start3A_1074, %dma_start3A_1075] : memref<8192x1024xf32, #tpu.memory_space<hbm>> -> memref<8192x1024xf32, #tpu.memory_space<hbm>>
      %dma_start3A_1077 = tpu.memref_slice %arg7[%dma_start3A_1068] : memref<8x!tpu.dma_semaphore, #tpu.memory_space<semaphore_mem>> -> memref<1x!tpu.dma_semaphore, #tpu.memory_space<semaphore_mem>>
      %dma_start3A_1078 = tpu.memref_squeeze %dma_start3A_1077 : memref<1x!tpu.dma_semaphore, #tpu.memory_space<semaphore_mem>> -> memref<!tpu.dma_semaphore, #tpu.memory_space<semaphore_mem>>
      tpu.enqueue_indirect_dma source(%dma_start3A_1076 : memref<8192x1024xf32, #tpu.memory_space<hbm>>) target(%dma_start3A_1072 : memref<8x1024xf32, #tpu.memory_space<vmem>>) offsets(%dma_start3A_1073 : memref<8xi32, #tpu.memory_space<vmem>>) semaphore(%dma_start3A_1078 : memref<!tpu.dma_semaphore, #tpu.memory_space<semaphore_mem>>)
    }
    %scan3A_110 = arith.constant 15 : i32
    %dma_wait3A = arith.constant 0 : i32
    %dma_wait3A_111 = arith.constant 0 : i32
    %dma_wait3A_112 = arith.constant 0 : i32
    %dma_wait3A_113 = arith.constant 0 : i32
    %dma_wait3A_114 = tpu.memref_slice %arg6[%dma_wait3A, %dma_wait3A_112, %dma_wait3A_113] : memref<8x8x1024xf32, #tpu.memory_space<vmem>> -> memref<1x8x1024xf32, #tpu.memory_space<vmem>>
    %dma_wait3A_115 = tpu.memref_squeeze %dma_wait3A_114 : memref<1x8x1024xf32, #tpu.memory_space<vmem>> -> memref<8x1024xf32, #tpu.memory_space<vmem>>
    %dma_wait3A_116 = arith.constant 960 : i32
    %dma_wait3A_117 = tpu.memref_slice %arg5[%dma_wait3A_116] : memref<1024xi32, #tpu.memory_space<vmem>> -> memref<8xi32, #tpu.memory_space<vmem>>
    %dma_wait3A_118 = arith.constant 0 : i32
    %dma_wait3A_119 = arith.constant 0 : i32
    %dma_wait3A_120 = tpu.memref_slice %arg3[%dma_wait3A_118, %dma_wait3A_119] : memref<8192x1024xf32, #tpu.memory_space<hbm>> -> memref<8192x1024xf32, #tpu.memory_space<hbm>>
    %dma_wait3A_121 = tpu.memref_slice %arg7[%dma_wait3A_111] : memref<8x!tpu.dma_semaphore, #tpu.memory_space<semaphore_mem>> -> memref<1x!tpu.dma_semaphore, #tpu.memory_space<semaphore_mem>>
    %dma_wait3A_122 = tpu.memref_squeeze %dma_wait3A_121 : memref<1x!tpu.dma_semaphore, #tpu.memory_space<semaphore_mem>> -> memref<!tpu.dma_semaphore, #tpu.memory_space<semaphore_mem>>
    tpu.wait_indirect_dma semaphore(%dma_wait3A_122 : memref<!tpu.dma_semaphore, #tpu.memory_space<semaphore_mem>>) src(%dma_wait3A_120 : memref<8192x1024xf32, #tpu.memory_space<hbm>>) dst(%dma_wait3A_115 : memref<8x1024xf32, #tpu.memory_space<vmem>>)
    %add3A_123 = arith.constant 960 : i32
    %add3A_124 = arith.addi %mul3A_2, %add3A_123 : i32
    %dma_start3A_125 = arith.constant 0 : i32
    %dma_start3A_126 = arith.constant 0 : i32
    %dma_start3A_127 = arith.constant 0 : i32
    %dma_start3A_128 = arith.constant 0 : i32
    %dma_start3A_129 = tpu.memref_slice %arg6[%dma_start3A_125, %dma_start3A_127, %dma_start3A_128] : memref<8x8x1024xf32, #tpu.memory_space<vmem>> -> memref<1x8x1024xf32, #tpu.memory_space<vmem>>
    %dma_start3A_130 = tpu.memref_squeeze %dma_start3A_129 : memref<1x8x1024xf32, #tpu.memory_space<vmem>> -> memref<8x1024xf32, #tpu.memory_space<vmem>>
    %dma_start3A_131 = arith.constant 0 : i32
    %dma_start3A_132 = tpu.memref_slice %arg4[%add3A_124, %dma_start3A_131] : memref<32768x1024xf32, #tpu.memory_space<hbm>> -> memref<8x1024xf32, #tpu.memory_space<hbm>>
    %dma_start3A_133 = tpu.memref_slice %arg8[%dma_start3A_126] : memref<8x!tpu.dma_semaphore, #tpu.memory_space<semaphore_mem>> -> memref<1x!tpu.dma_semaphore, #tpu.memory_space<semaphore_mem>>
    %dma_start3A_134 = tpu.memref_squeeze %dma_start3A_133 : memref<1x!tpu.dma_semaphore, #tpu.memory_space<semaphore_mem>> -> memref<!tpu.dma_semaphore, #tpu.memory_space<semaphore_mem>>
    %dma_start3A_135 = arith.constant 0 : i32
    %dma_start3A_136 = tpu.memref_slice %arg4[%add3A_124, %dma_start3A_135] : memref<32768x1024xf32, #tpu.memory_space<hbm>> -> memref<8x1024xf32, #tpu.memory_space<hbm>>
    %dma_start3A_137 = arith.constant 0 : i32
    %dma_start3A_138 = arith.constant 0 : i32
    %dma_start3A_139 = tpu.memref_slice %arg6[%dma_start3A_125, %dma_start3A_137, %dma_start3A_138] : memref<8x8x1024xf32, #tpu.memory_space<vmem>> -> memref<1x8x1024xf32, #tpu.memory_space<vmem>>
    %dma_start3A_140 = tpu.memref_squeeze %dma_start3A_139 : memref<1x8x1024xf32, #tpu.memory_space<vmem>> -> memref<8x1024xf32, #tpu.memory_space<vmem>>
    tpu.enqueue_dma source(%dma_start3A_140 : memref<8x1024xf32, #tpu.memory_space<vmem>>) target(%dma_start3A_136 : memref<8x1024xf32, #tpu.memory_space<hbm>>) target_semaphore(%dma_start3A_134 : memref<!tpu.dma_semaphore, #tpu.memory_space<semaphore_mem>>)
    %dma_wait3A_141 = arith.constant 1 : i32
    %dma_wait3A_142 = arith.constant 1 : i32
    %dma_wait3A_143 = arith.constant 0 : i32
    %dma_wait3A_144 = arith.constant 0 : i32
    %dma_wait3A_145 = tpu.memref_slice %arg6[%dma_wait3A_141, %dma_wait3A_143, %dma_wait3A_144] : memref<8x8x1024xf32, #tpu.memory_space<vmem>> -> memref<1x8x1024xf32, #tpu.memory_space<vmem>>
    %dma_wait3A_146 = tpu.memref_squeeze %dma_wait3A_145 : memref<1x8x1024xf32, #tpu.memory_space<vmem>> -> memref<8x1024xf32, #tpu.memory_space<vmem>>
    %dma_wait3A_147 = arith.constant 968 : i32
    %dma_wait3A_148 = tpu.memref_slice %arg5[%dma_wait3A_147] : memref<1024xi32, #tpu.memory_space<vmem>> -> memref<8xi32, #tpu.memory_space<vmem>>
    %dma_wait3A_149 = arith.constant 0 : i32
    %dma_wait3A_150 = arith.constant 0 : i32
    %dma_wait3A_151 = tpu.memref_slice %arg3[%dma_wait3A_149, %dma_wait3A_150] : memref<8192x1024xf32, #tpu.memory_space<hbm>> -> memref<8192x1024xf32, #tpu.memory_space<hbm>>
    %dma_wait3A_152 = tpu.memref_slice %arg7[%dma_wait3A_142] : memref<8x!tpu.dma_semaphore, #tpu.memory_space<semaphore_mem>> -> memref<1x!tpu.dma_semaphore, #tpu.memory_space<semaphore_mem>>
    %dma_wait3A_153 = tpu.memref_squeeze %dma_wait3A_152 : memref<1x!tpu.dma_semaphore, #tpu.memory_space<semaphore_mem>> -> memref<!tpu.dma_semaphore, #tpu.memory_space<semaphore_mem>>
    tpu.wait_indirect_dma semaphore(%dma_wait3A_153 : memref<!tpu.dma_semaphore, #tpu.memory_space<semaphore_mem>>) src(%dma_wait3A_151 : memref<8192x1024xf32, #tpu.memory_space<hbm>>) dst(%dma_wait3A_146 : memref<8x1024xf32, #tpu.memory_space<vmem>>)
    %add3A_154 = arith.constant 968 : i32
    %add3A_155 = arith.addi %mul3A_2, %add3A_154 : i32
    %dma_start3A_156 = arith.constant 1 : i32
    %dma_start3A_157 = arith.constant 1 : i32
    %dma_start3A_158 = arith.constant 0 : i32
    %dma_start3A_159 = arith.constant 0 : i32
    %dma_start3A_160 = tpu.memref_slice %arg6[%dma_start3A_156, %dma_start3A_158, %dma_start3A_159] : memref<8x8x1024xf32, #tpu.memory_space<vmem>> -> memref<1x8x1024xf32, #tpu.memory_space<vmem>>
    %dma_start3A_161 = tpu.memref_squeeze %dma_start3A_160 : memref<1x8x1024xf32, #tpu.memory_space<vmem>> -> memref<8x1024xf32, #tpu.memory_space<vmem>>
    %dma_start3A_162 = arith.constant 0 : i32
    %dma_start3A_163 = tpu.memref_slice %arg4[%add3A_155, %dma_start3A_162] : memref<32768x1024xf32, #tpu.memory_space<hbm>> -> memref<8x1024xf32, #tpu.memory_space<hbm>>
    %dma_start3A_164 = tpu.memref_slice %arg8[%dma_start3A_157] : memref<8x!tpu.dma_semaphore, #tpu.memory_space<semaphore_mem>> -> memref<1x!tpu.dma_semaphore, #tpu.memory_space<semaphore_mem>>
    %dma_start3A_165 = tpu.memref_squeeze %dma_start3A_164 : memref<1x!tpu.dma_semaphore, #tpu.memory_space<semaphore_mem>> -> memref<!tpu.dma_semaphore, #tpu.memory_space<semaphore_mem>>
    %dma_start3A_166 = arith.constant 0 : i32
    %dma_start3A_167 = tpu.memref_slice %arg4[%add3A_155, %dma_start3A_166] : memref<32768x1024xf32, #tpu.memory_space<hbm>> -> memref<8x1024xf32, #tpu.memory_space<hbm>>
    %dma_start3A_168 = arith.constant 0 : i32
    %dma_start3A_169 = arith.constant 0 : i32
    %dma_start3A_170 = tpu.memref_slice %arg6[%dma_start3A_156, %dma_start3A_168, %dma_start3A_169] : memref<8x8x1024xf32, #tpu.memory_space<vmem>> -> memref<1x8x1024xf32, #tpu.memory_space<vmem>>
    %dma_start3A_171 = tpu.memref_squeeze %dma_start3A_170 : memref<1x8x1024xf32, #tpu.memory_space<vmem>> -> memref<8x1024xf32, #tpu.memory_space<vmem>>
    tpu.enqueue_dma source(%dma_start3A_171 : memref<8x1024xf32, #tpu.memory_space<vmem>>) target(%dma_start3A_167 : memref<8x1024xf32, #tpu.memory_space<hbm>>) target_semaphore(%dma_start3A_165 : memref<!tpu.dma_semaphore, #tpu.memory_space<semaphore_mem>>)
    %dma_wait3A_172 = arith.constant 2 : i32
    %dma_wait3A_173 = arith.constant 2 : i32
    %dma_wait3A_174 = arith.constant 0 : i32
    %dma_wait3A_175 = arith.constant 0 : i32
    %dma_wait3A_176 = tpu.memref_slice %arg6[%dma_wait3A_172, %dma_wait3A_174, %dma_wait3A_175] : memref<8x8x1024xf32, #tpu.memory_space<vmem>> -> memref<1x8x1024xf32, #tpu.memory_space<vmem>>
    %dma_wait3A_177 = tpu.memref_squeeze %dma_wait3A_176 : memref<1x8x1024xf32, #tpu.memory_space<vmem>> -> memref<8x1024xf32, #tpu.memory_space<vmem>>
    %dma_wait3A_178 = arith.constant 976 : i32
    %dma_wait3A_179 = tpu.memref_slice %arg5[%dma_wait3A_178] : memref<1024xi32, #tpu.memory_space<vmem>> -> memref<8xi32, #tpu.memory_space<vmem>>
    %dma_wait3A_180 = arith.constant 0 : i32
    %dma_wait3A_181 = arith.constant 0 : i32
    %dma_wait3A_182 = tpu.memref_slice %arg3[%dma_wait3A_180, %dma_wait3A_181] : memref<8192x1024xf32, #tpu.memory_space<hbm>> -> memref<8192x1024xf32, #tpu.memory_space<hbm>>
    %dma_wait3A_183 = tpu.memref_slice %arg7[%dma_wait3A_173] : memref<8x!tpu.dma_semaphore, #tpu.memory_space<semaphore_mem>> -> memref<1x!tpu.dma_semaphore, #tpu.memory_space<semaphore_mem>>
    %dma_wait3A_184 = tpu.memref_squeeze %dma_wait3A_183 : memref<1x!tpu.dma_semaphore, #tpu.memory_space<semaphore_mem>> -> memref<!tpu.dma_semaphore, #tpu.memory_space<semaphore_mem>>
    tpu.wait_indirect_dma semaphore(%dma_wait3A_184 : memref<!tpu.dma_semaphore, #tpu.memory_space<semaphore_mem>>) src(%dma_wait3A_182 : memref<8192x1024xf32, #tpu.memory_space<hbm>>) dst(%dma_wait3A_177 : memref<8x1024xf32, #tpu.memory_space<vmem>>)
    %add3A_185 = arith.constant 976 : i32
    %add3A_186 = arith.addi %mul3A_2, %add3A_185 : i32
    %dma_start3A_187 = arith.constant 2 : i32
    %dma_start3A_188 = arith.constant 2 : i32
    %dma_start3A_189 = arith.constant 0 : i32
    %dma_start3A_190 = arith.constant 0 : i32
    %dma_start3A_191 = tpu.memref_slice %arg6[%dma_start3A_187, %dma_start3A_189, %dma_start3A_190] : memref<8x8x1024xf32, #tpu.memory_space<vmem>> -> memref<1x8x1024xf32, #tpu.memory_space<vmem>>
    %dma_start3A_192 = tpu.memref_squeeze %dma_start3A_191 : memref<1x8x1024xf32, #tpu.memory_space<vmem>> -> memref<8x1024xf32, #tpu.memory_space<vmem>>
    %dma_start3A_193 = arith.constant 0 : i32
    %dma_start3A_194 = tpu.memref_slice %arg4[%add3A_186, %dma_start3A_193] : memref<32768x1024xf32, #tpu.memory_space<hbm>> -> memref<8x1024xf32, #tpu.memory_space<hbm>>
    %dma_start3A_195 = tpu.memref_slice %arg8[%dma_start3A_188] : memref<8x!tpu.dma_semaphore, #tpu.memory_space<semaphore_mem>> -> memref<1x!tpu.dma_semaphore, #tpu.memory_space<semaphore_mem>>
    %dma_start3A_196 = tpu.memref_squeeze %dma_start3A_195 : memref<1x!tpu.dma_semaphore, #tpu.memory_space<semaphore_mem>> -> memref<!tpu.dma_semaphore, #tpu.memory_space<semaphore_mem>>
    %dma_start3A_197 = arith.constant 0 : i32
    %dma_start3A_198 = tpu.memref_slice %arg4[%add3A_186, %dma_start3A_197] : memref<32768x1024xf32, #tpu.memory_space<hbm>> -> memref<8x1024xf32, #tpu.memory_space<hbm>>
    %dma_start3A_199 = arith.constant 0 : i32
    %dma_start3A_200 = arith.constant 0 : i32
    %dma_start3A_201 = tpu.memref_slice %arg6[%dma_start3A_187, %dma_start3A_199, %dma_start3A_200] : memref<8x8x1024xf32, #tpu.memory_space<vmem>> -> memref<1x8x1024xf32, #tpu.memory_space<vmem>>
    %dma_start3A_202 = tpu.memref_squeeze %dma_start3A_201 : memref<1x8x1024xf32, #tpu.memory_space<vmem>> -> memref<8x1024xf32, #tpu.memory_space<vmem>>
    tpu.enqueue_dma source(%dma_start3A_202 : memref<8x1024xf32, #tpu.memory_space<vmem>>) target(%dma_start3A_198 : memref<8x1024xf32, #tpu.memory_space<hbm>>) target_semaphore(%dma_start3A_196 : memref<!tpu.dma_semaphore, #tpu.memory_space<semaphore_mem>>)
    %dma_wait3A_203 = arith.constant 3 : i32
    %dma_wait3A_204 = arith.constant 3 : i32
    %dma_wait3A_205 = arith.constant 0 : i32
    %dma_wait3A_206 = arith.constant 0 : i32
    %dma_wait3A_207 = tpu.memref_slice %arg6[%dma_wait3A_203, %dma_wait3A_205, %dma_wait3A_206] : memref<8x8x1024xf32, #tpu.memory_space<vmem>> -> memref<1x8x1024xf32, #tpu.memory_space<vmem>>
    %dma_wait3A_208 = tpu.memref_squeeze %dma_wait3A_207 : memref<1x8x1024xf32, #tpu.memory_space<vmem>> -> memref<8x1024xf32, #tpu.memory_space<vmem>>
    %dma_wait3A_209 = arith.constant 984 : i32
    %dma_wait3A_210 = tpu.memref_slice %arg5[%dma_wait3A_209] : memref<1024xi32, #tpu.memory_space<vmem>> -> memref<8xi32, #tpu.memory_space<vmem>>
    %dma_wait3A_211 = arith.constant 0 : i32
    %dma_wait3A_212 = arith.constant 0 : i32
    %dma_wait3A_213 = tpu.memref_slice %arg3[%dma_wait3A_211, %dma_wait3A_212] : memref<8192x1024xf32, #tpu.memory_space<hbm>> -> memref<8192x1024xf32, #tpu.memory_space<hbm>>
    %dma_wait3A_214 = tpu.memref_slice %arg7[%dma_wait3A_204] : memref<8x!tpu.dma_semaphore, #tpu.memory_space<semaphore_mem>> -> memref<1x!tpu.dma_semaphore, #tpu.memory_space<semaphore_mem>>
    %dma_wait3A_215 = tpu.memref_squeeze %dma_wait3A_214 : memref<1x!tpu.dma_semaphore, #tpu.memory_space<semaphore_mem>> -> memref<!tpu.dma_semaphore, #tpu.memory_space<semaphore_mem>>
    tpu.wait_indirect_dma semaphore(%dma_wait3A_215 : memref<!tpu.dma_semaphore, #tpu.memory_space<semaphore_mem>>) src(%dma_wait3A_213 : memref<8192x1024xf32, #tpu.memory_space<hbm>>) dst(%dma_wait3A_208 : memref<8x1024xf32, #tpu.memory_space<vmem>>)
    %add3A_216 = arith.constant 984 : i32
    %add3A_217 = arith.addi %mul3A_2, %add3A_216 : i32
    %dma_start3A_218 = arith.constant 3 : i32
    %dma_start3A_219 = arith.constant 3 : i32
    %dma_start3A_220 = arith.constant 0 : i32
    %dma_start3A_221 = arith.constant 0 : i32
    %dma_start3A_222 = tpu.memref_slice %arg6[%dma_start3A_218, %dma_start3A_220, %dma_start3A_221] : memref<8x8x1024xf32, #tpu.memory_space<vmem>> -> memref<1x8x1024xf32, #tpu.memory_space<vmem>>
    %dma_start3A_223 = tpu.memref_squeeze %dma_start3A_222 : memref<1x8x1024xf32, #tpu.memory_space<vmem>> -> memref<8x1024xf32, #tpu.memory_space<vmem>>
    %dma_start3A_224 = arith.constant 0 : i32
    %dma_start3A_225 = tpu.memref_slice %arg4[%add3A_217, %dma_start3A_224] : memref<32768x1024xf32, #tpu.memory_space<hbm>> -> memref<8x1024xf32, #tpu.memory_space<hbm>>
    %dma_start3A_226 = tpu.memref_slice %arg8[%dma_start3A_219] : memref<8x!tpu.dma_semaphore, #tpu.memory_space<semaphore_mem>> -> memref<1x!tpu.dma_semaphore, #tpu.memory_space<semaphore_mem>>
    %dma_start3A_227 = tpu.memref_squeeze %dma_start3A_226 : memref<1x!tpu.dma_semaphore, #tpu.memory_space<semaphore_mem>> -> memref<!tpu.dma_semaphore, #tpu.memory_space<semaphore_mem>>
    %dma_start3A_228 = arith.constant 0 : i32
    %dma_start3A_229 = tpu.memref_slice %arg4[%add3A_217, %dma_start3A_228] : memref<32768x1024xf32, #tpu.memory_space<hbm>> -> memref<8x1024xf32, #tpu.memory_space<hbm>>
    %dma_start3A_230 = arith.constant 0 : i32
    %dma_start3A_231 = arith.constant 0 : i32
    %dma_start3A_232 = tpu.memref_slice %arg6[%dma_start3A_218, %dma_start3A_230, %dma_start3A_231] : memref<8x8x1024xf32, #tpu.memory_space<vmem>> -> memref<1x8x1024xf32, #tpu.memory_space<vmem>>
    %dma_start3A_233 = tpu.memref_squeeze %dma_start3A_232 : memref<1x8x1024xf32, #tpu.memory_space<vmem>> -> memref<8x1024xf32, #tpu.memory_space<vmem>>
    tpu.enqueue_dma source(%dma_start3A_233 : memref<8x1024xf32, #tpu.memory_space<vmem>>) target(%dma_start3A_229 : memref<8x1024xf32, #tpu.memory_space<hbm>>) target_semaphore(%dma_start3A_227 : memref<!tpu.dma_semaphore, #tpu.memory_space<semaphore_mem>>)
    %dma_wait3A_234 = arith.constant 4 : i32
    %dma_wait3A_235 = arith.constant 4 : i32
    %dma_wait3A_236 = arith.constant 0 : i32
    %dma_wait3A_237 = arith.constant 0 : i32
    %dma_wait3A_238 = tpu.memref_slice %arg6[%dma_wait3A_234, %dma_wait3A_236, %dma_wait3A_237] : memref<8x8x1024xf32, #tpu.memory_space<vmem>> -> memref<1x8x1024xf32, #tpu.memory_space<vmem>>
    %dma_wait3A_239 = tpu.memref_squeeze %dma_wait3A_238 : memref<1x8x1024xf32, #tpu.memory_space<vmem>> -> memref<8x1024xf32, #tpu.memory_space<vmem>>
    %dma_wait3A_240 = arith.constant 992 : i32
    %dma_wait3A_241 = tpu.memref_slice %arg5[%dma_wait3A_240] : memref<1024xi32, #tpu.memory_space<vmem>> -> memref<8xi32, #tpu.memory_space<vmem>>
    %dma_wait3A_242 = arith.constant 0 : i32
    %dma_wait3A_243 = arith.constant 0 : i32
    %dma_wait3A_244 = tpu.memref_slice %arg3[%dma_wait3A_242, %dma_wait3A_243] : memref<8192x1024xf32, #tpu.memory_space<hbm>> -> memref<8192x1024xf32, #tpu.memory_space<hbm>>
    %dma_wait3A_245 = tpu.memref_slice %arg7[%dma_wait3A_235] : memref<8x!tpu.dma_semaphore, #tpu.memory_space<semaphore_mem>> -> memref<1x!tpu.dma_semaphore, #tpu.memory_space<semaphore_mem>>
    %dma_wait3A_246 = tpu.memref_squeeze %dma_wait3A_245 : memref<1x!tpu.dma_semaphore, #tpu.memory_space<semaphore_mem>> -> memref<!tpu.dma_semaphore, #tpu.memory_space<semaphore_mem>>
    tpu.wait_indirect_dma semaphore(%dma_wait3A_246 : memref<!tpu.dma_semaphore, #tpu.memory_space<semaphore_mem>>) src(%dma_wait3A_244 : memref<8192x1024xf32, #tpu.memory_space<hbm>>) dst(%dma_wait3A_239 : memref<8x1024xf32, #tpu.memory_space<vmem>>)
    %add3A_247 = arith.constant 992 : i32
    %add3A_248 = arith.addi %mul3A_2, %add3A_247 : i32
    %dma_start3A_249 = arith.constant 4 : i32
    %dma_start3A_250 = arith.constant 4 : i32
    %dma_start3A_251 = arith.constant 0 : i32
    %dma_start3A_252 = arith.constant 0 : i32
    %dma_start3A_253 = tpu.memref_slice %arg6[%dma_start3A_249, %dma_start3A_251, %dma_start3A_252] : memref<8x8x1024xf32, #tpu.memory_space<vmem>> -> memref<1x8x1024xf32, #tpu.memory_space<vmem>>
    %dma_start3A_254 = tpu.memref_squeeze %dma_start3A_253 : memref<1x8x1024xf32, #tpu.memory_space<vmem>> -> memref<8x1024xf32, #tpu.memory_space<vmem>>
    %dma_start3A_255 = arith.constant 0 : i32
    %dma_start3A_256 = tpu.memref_slice %arg4[%add3A_248, %dma_start3A_255] : memref<32768x1024xf32, #tpu.memory_space<hbm>> -> memref<8x1024xf32, #tpu.memory_space<hbm>>
    %dma_start3A_257 = tpu.memref_slice %arg8[%dma_start3A_250] : memref<8x!tpu.dma_semaphore, #tpu.memory_space<semaphore_mem>> -> memref<1x!tpu.dma_semaphore, #tpu.memory_space<semaphore_mem>>
    %dma_start3A_258 = tpu.memref_squeeze %dma_start3A_257 : memref<1x!tpu.dma_semaphore, #tpu.memory_space<semaphore_mem>> -> memref<!tpu.dma_semaphore, #tpu.memory_space<semaphore_mem>>
    %dma_start3A_259 = arith.constant 0 : i32
    %dma_start3A_260 = tpu.memref_slice %arg4[%add3A_248, %dma_start3A_259] : memref<32768x1024xf32, #tpu.memory_space<hbm>> -> memref<8x1024xf32, #tpu.memory_space<hbm>>
    %dma_start3A_261 = arith.constant 0 : i32
    %dma_start3A_262 = arith.constant 0 : i32
    %dma_start3A_263 = tpu.memref_slice %arg6[%dma_start3A_249, %dma_start3A_261, %dma_start3A_262] : memref<8x8x1024xf32, #tpu.memory_space<vmem>> -> memref<1x8x1024xf32, #tpu.memory_space<vmem>>
    %dma_start3A_264 = tpu.memref_squeeze %dma_start3A_263 : memref<1x8x1024xf32, #tpu.memory_space<vmem>> -> memref<8x1024xf32, #tpu.memory_space<vmem>>
    tpu.enqueue_dma source(%dma_start3A_264 : memref<8x1024xf32, #tpu.memory_space<vmem>>) target(%dma_start3A_260 : memref<8x1024xf32, #tpu.memory_space<hbm>>) target_semaphore(%dma_start3A_258 : memref<!tpu.dma_semaphore, #tpu.memory_space<semaphore_mem>>)
    %dma_wait3A_265 = arith.constant 5 : i32
    %dma_wait3A_266 = arith.constant 5 : i32
    %dma_wait3A_267 = arith.constant 0 : i32
    %dma_wait3A_268 = arith.constant 0 : i32
    %dma_wait3A_269 = tpu.memref_slice %arg6[%dma_wait3A_265, %dma_wait3A_267, %dma_wait3A_268] : memref<8x8x1024xf32, #tpu.memory_space<vmem>> -> memref<1x8x1024xf32, #tpu.memory_space<vmem>>
    %dma_wait3A_270 = tpu.memref_squeeze %dma_wait3A_269 : memref<1x8x1024xf32, #tpu.memory_space<vmem>> -> memref<8x1024xf32, #tpu.memory_space<vmem>>
    %dma_wait3A_271 = arith.constant 1000 : i32
    %dma_wait3A_272 = tpu.memref_slice %arg5[%dma_wait3A_271] : memref<1024xi32, #tpu.memory_space<vmem>> -> memref<8xi32, #tpu.memory_space<vmem>>
    %dma_wait3A_273 = arith.constant 0 : i32
    %dma_wait3A_274 = arith.constant 0 : i32
    %dma_wait3A_275 = tpu.memref_slice %arg3[%dma_wait3A_273, %dma_wait3A_274] : memref<8192x1024xf32, #tpu.memory_space<hbm>> -> memref<8192x1024xf32, #tpu.memory_space<hbm>>
    %dma_wait3A_276 = tpu.memref_slice %arg7[%dma_wait3A_266] : memref<8x!tpu.dma_semaphore, #tpu.memory_space<semaphore_mem>> -> memref<1x!tpu.dma_semaphore, #tpu.memory_space<semaphore_mem>>
    %dma_wait3A_277 = tpu.memref_squeeze %dma_wait3A_276 : memref<1x!tpu.dma_semaphore, #tpu.memory_space<semaphore_mem>> -> memref<!tpu.dma_semaphore, #tpu.memory_space<semaphore_mem>>
    tpu.wait_indirect_dma semaphore(%dma_wait3A_277 : memref<!tpu.dma_semaphore, #tpu.memory_space<semaphore_mem>>) src(%dma_wait3A_275 : memref<8192x1024xf32, #tpu.memory_space<hbm>>) dst(%dma_wait3A_270 : memref<8x1024xf32, #tpu.memory_space<vmem>>)
    %add3A_278 = arith.constant 1000 : i32
    %add3A_279 = arith.addi %mul3A_2, %add3A_278 : i32
    %dma_start3A_280 = arith.constant 5 : i32
    %dma_start3A_281 = arith.constant 5 : i32
    %dma_start3A_282 = arith.constant 0 : i32
    %dma_start3A_283 = arith.constant 0 : i32
    %dma_start3A_284 = tpu.memref_slice %arg6[%dma_start3A_280, %dma_start3A_282, %dma_start3A_283] : memref<8x8x1024xf32, #tpu.memory_space<vmem>> -> memref<1x8x1024xf32, #tpu.memory_space<vmem>>
    %dma_start3A_285 = tpu.memref_squeeze %dma_start3A_284 : memref<1x8x1024xf32, #tpu.memory_space<vmem>> -> memref<8x1024xf32, #tpu.memory_space<vmem>>
    %dma_start3A_286 = arith.constant 0 : i32
    %dma_start3A_287 = tpu.memref_slice %arg4[%add3A_279, %dma_start3A_286] : memref<32768x1024xf32, #tpu.memory_space<hbm>> -> memref<8x1024xf32, #tpu.memory_space<hbm>>
    %dma_start3A_288 = tpu.memref_slice %arg8[%dma_start3A_281] : memref<8x!tpu.dma_semaphore, #tpu.memory_space<semaphore_mem>> -> memref<1x!tpu.dma_semaphore, #tpu.memory_space<semaphore_mem>>
    %dma_start3A_289 = tpu.memref_squeeze %dma_start3A_288 : memref<1x!tpu.dma_semaphore, #tpu.memory_space<semaphore_mem>> -> memref<!tpu.dma_semaphore, #tpu.memory_space<semaphore_mem>>
    %dma_start3A_290 = arith.constant 0 : i32
    %dma_start3A_291 = tpu.memref_slice %arg4[%add3A_279, %dma_start3A_290] : memref<32768x1024xf32, #tpu.memory_space<hbm>> -> memref<8x1024xf32, #tpu.memory_space<hbm>>
    %dma_start3A_292 = arith.constant 0 : i32
    %dma_start3A_293 = arith.constant 0 : i32
    %dma_start3A_294 = tpu.memref_slice %arg6[%dma_start3A_280, %dma_start3A_292, %dma_start3A_293] : memref<8x8x1024xf32, #tpu.memory_space<vmem>> -> memref<1x8x1024xf32, #tpu.memory_space<vmem>>
    %dma_start3A_295 = tpu.memref_squeeze %dma_start3A_294 : memref<1x8x1024xf32, #tpu.memory_space<vmem>> -> memref<8x1024xf32, #tpu.memory_space<vmem>>
    tpu.enqueue_dma source(%dma_start3A_295 : memref<8x1024xf32, #tpu.memory_space<vmem>>) target(%dma_start3A_291 : memref<8x1024xf32, #tpu.memory_space<hbm>>) target_semaphore(%dma_start3A_289 : memref<!tpu.dma_semaphore, #tpu.memory_space<semaphore_mem>>)
    %dma_wait3A_296 = arith.constant 6 : i32
    %dma_wait3A_297 = arith.constant 6 : i32
    %dma_wait3A_298 = arith.constant 0 : i32
    %dma_wait3A_299 = arith.constant 0 : i32
    %dma_wait3A_300 = tpu.memref_slice %arg6[%dma_wait3A_296, %dma_wait3A_298, %dma_wait3A_299] : memref<8x8x1024xf32, #tpu.memory_space<vmem>> -> memref<1x8x1024xf32, #tpu.memory_space<vmem>>
    %dma_wait3A_301 = tpu.memref_squeeze %dma_wait3A_300 : memref<1x8x1024xf32, #tpu.memory_space<vmem>> -> memref<8x1024xf32, #tpu.memory_space<vmem>>
    %dma_wait3A_302 = arith.constant 1008 : i32
    %dma_wait3A_303 = tpu.memref_slice %arg5[%dma_wait3A_302] : memref<1024xi32, #tpu.memory_space<vmem>> -> memref<8xi32, #tpu.memory_space<vmem>>
    %dma_wait3A_304 = arith.constant 0 : i32
    %dma_wait3A_305 = arith.constant 0 : i32
    %dma_wait3A_306 = tpu.memref_slice %arg3[%dma_wait3A_304, %dma_wait3A_305] : memref<8192x1024xf32, #tpu.memory_space<hbm>> -> memref<8192x1024xf32, #tpu.memory_space<hbm>>
    %dma_wait3A_307 = tpu.memref_slice %arg7[%dma_wait3A_297] : memref<8x!tpu.dma_semaphore, #tpu.memory_space<semaphore_mem>> -> memref<1x!tpu.dma_semaphore, #tpu.memory_space<semaphore_mem>>
    %dma_wait3A_308 = tpu.memref_squeeze %dma_wait3A_307 : memref<1x!tpu.dma_semaphore, #tpu.memory_space<semaphore_mem>> -> memref<!tpu.dma_semaphore, #tpu.memory_space<semaphore_mem>>
    tpu.wait_indirect_dma semaphore(%dma_wait3A_308 : memref<!tpu.dma_semaphore, #tpu.memory_space<semaphore_mem>>) src(%dma_wait3A_306 : memref<8192x1024xf32, #tpu.memory_space<hbm>>) dst(%dma_wait3A_301 : memref<8x1024xf32, #tpu.memory_space<vmem>>)
    %add3A_309 = arith.constant 1008 : i32
    %add3A_310 = arith.addi %mul3A_2, %add3A_309 : i32
    %dma_start3A_311 = arith.constant 6 : i32
    %dma_start3A_312 = arith.constant 6 : i32
    %dma_start3A_313 = arith.constant 0 : i32
    %dma_start3A_314 = arith.constant 0 : i32
    %dma_start3A_315 = tpu.memref_slice %arg6[%dma_start3A_311, %dma_start3A_313, %dma_start3A_314] : memref<8x8x1024xf32, #tpu.memory_space<vmem>> -> memref<1x8x1024xf32, #tpu.memory_space<vmem>>
    %dma_start3A_316 = tpu.memref_squeeze %dma_start3A_315 : memref<1x8x1024xf32, #tpu.memory_space<vmem>> -> memref<8x1024xf32, #tpu.memory_space<vmem>>
    %dma_start3A_317 = arith.constant 0 : i32
    %dma_start3A_318 = tpu.memref_slice %arg4[%add3A_310, %dma_start3A_317] : memref<32768x1024xf32, #tpu.memory_space<hbm>> -> memref<8x1024xf32, #tpu.memory_space<hbm>>
    %dma_start3A_319 = tpu.memref_slice %arg8[%dma_start3A_312] : memref<8x!tpu.dma_semaphore, #tpu.memory_space<semaphore_mem>> -> memref<1x!tpu.dma_semaphore, #tpu.memory_space<semaphore_mem>>
    %dma_start3A_320 = tpu.memref_squeeze %dma_start3A_319 : memref<1x!tpu.dma_semaphore, #tpu.memory_space<semaphore_mem>> -> memref<!tpu.dma_semaphore, #tpu.memory_space<semaphore_mem>>
    %dma_start3A_321 = arith.constant 0 : i32
    %dma_start3A_322 = tpu.memref_slice %arg4[%add3A_310, %dma_start3A_321] : memref<32768x1024xf32, #tpu.memory_space<hbm>> -> memref<8x1024xf32, #tpu.memory_space<hbm>>
    %dma_start3A_323 = arith.constant 0 : i32
    %dma_start3A_324 = arith.constant 0 : i32
    %dma_start3A_325 = tpu.memref_slice %arg6[%dma_start3A_311, %dma_start3A_323, %dma_start3A_324] : memref<8x8x1024xf32, #tpu.memory_space<vmem>> -> memref<1x8x1024xf32, #tpu.memory_space<vmem>>
    %dma_start3A_326 = tpu.memref_squeeze %dma_start3A_325 : memref<1x8x1024xf32, #tpu.memory_space<vmem>> -> memref<8x1024xf32, #tpu.memory_space<vmem>>
    tpu.enqueue_dma source(%dma_start3A_326 : memref<8x1024xf32, #tpu.memory_space<vmem>>) target(%dma_start3A_322 : memref<8x1024xf32, #tpu.memory_space<hbm>>) target_semaphore(%dma_start3A_320 : memref<!tpu.dma_semaphore, #tpu.memory_space<semaphore_mem>>)
    %dma_wait3A_327 = arith.constant 7 : i32
    %dma_wait3A_328 = arith.constant 7 : i32
    %dma_wait3A_329 = arith.constant 0 : i32
    %dma_wait3A_330 = arith.constant 0 : i32
    %dma_wait3A_331 = tpu.memref_slice %arg6[%dma_wait3A_327, %dma_wait3A_329, %dma_wait3A_330] : memref<8x8x1024xf32, #tpu.memory_space<vmem>> -> memref<1x8x1024xf32, #tpu.memory_space<vmem>>
    %dma_wait3A_332 = tpu.memref_squeeze %dma_wait3A_331 : memref<1x8x1024xf32, #tpu.memory_space<vmem>> -> memref<8x1024xf32, #tpu.memory_space<vmem>>
    %dma_wait3A_333 = arith.constant 1016 : i32
    %dma_wait3A_334 = tpu.memref_slice %arg5[%dma_wait3A_333] : memref<1024xi32, #tpu.memory_space<vmem>> -> memref<8xi32, #tpu.memory_space<vmem>>
    %dma_wait3A_335 = arith.constant 0 : i32
    %dma_wait3A_336 = arith.constant 0 : i32
    %dma_wait3A_337 = tpu.memref_slice %arg3[%dma_wait3A_335, %dma_wait3A_336] : memref<8192x1024xf32, #tpu.memory_space<hbm>> -> memref<8192x1024xf32, #tpu.memory_space<hbm>>
    %dma_wait3A_338 = tpu.memref_slice %arg7[%dma_wait3A_328] : memref<8x!tpu.dma_semaphore, #tpu.memory_space<semaphore_mem>> -> memref<1x!tpu.dma_semaphore, #tpu.memory_space<semaphore_mem>>
    %dma_wait3A_339 = tpu.memref_squeeze %dma_wait3A_338 : memref<1x!tpu.dma_semaphore, #tpu.memory_space<semaphore_mem>> -> memref<!tpu.dma_semaphore, #tpu.memory_space<semaphore_mem>>
    tpu.wait_indirect_dma semaphore(%dma_wait3A_339 : memref<!tpu.dma_semaphore, #tpu.memory_space<semaphore_mem>>) src(%dma_wait3A_337 : memref<8192x1024xf32, #tpu.memory_space<hbm>>) dst(%dma_wait3A_332 : memref<8x1024xf32, #tpu.memory_space<vmem>>)
    %add3A_340 = arith.constant 1016 : i32
    %add3A_341 = arith.addi %mul3A_2, %add3A_340 : i32
    %dma_start3A_342 = arith.constant 7 : i32
    %dma_start3A_343 = arith.constant 7 : i32
    %dma_start3A_344 = arith.constant 0 : i32
    %dma_start3A_345 = arith.constant 0 : i32
    %dma_start3A_346 = tpu.memref_slice %arg6[%dma_start3A_342, %dma_start3A_344, %dma_start3A_345] : memref<8x8x1024xf32, #tpu.memory_space<vmem>> -> memref<1x8x1024xf32, #tpu.memory_space<vmem>>
    %dma_start3A_347 = tpu.memref_squeeze %dma_start3A_346 : memref<1x8x1024xf32, #tpu.memory_space<vmem>> -> memref<8x1024xf32, #tpu.memory_space<vmem>>
    %dma_start3A_348 = arith.constant 0 : i32
    %dma_start3A_349 = tpu.memref_slice %arg4[%add3A_341, %dma_start3A_348] : memref<32768x1024xf32, #tpu.memory_space<hbm>> -> memref<8x1024xf32, #tpu.memory_space<hbm>>
    %dma_start3A_350 = tpu.memref_slice %arg8[%dma_start3A_343] : memref<8x!tpu.dma_semaphore, #tpu.memory_space<semaphore_mem>> -> memref<1x!tpu.dma_semaphore, #tpu.memory_space<semaphore_mem>>
    %dma_start3A_351 = tpu.memref_squeeze %dma_start3A_350 : memref<1x!tpu.dma_semaphore, #tpu.memory_space<semaphore_mem>> -> memref<!tpu.dma_semaphore, #tpu.memory_space<semaphore_mem>>
    %dma_start3A_352 = arith.constant 0 : i32
    %dma_start3A_353 = tpu.memref_slice %arg4[%add3A_341, %dma_start3A_352] : memref<32768x1024xf32, #tpu.memory_space<hbm>> -> memref<8x1024xf32, #tpu.memory_space<hbm>>
    %dma_start3A_354 = arith.constant 0 : i32
    %dma_start3A_355 = arith.constant 0 : i32
    %dma_start3A_356 = tpu.memref_slice %arg6[%dma_start3A_342, %dma_start3A_354, %dma_start3A_355] : memref<8x8x1024xf32, #tpu.memory_space<vmem>> -> memref<1x8x1024xf32, #tpu.memory_space<vmem>>
    %dma_start3A_357 = tpu.memref_squeeze %dma_start3A_356 : memref<1x8x1024xf32, #tpu.memory_space<vmem>> -> memref<8x1024xf32, #tpu.memory_space<vmem>>
    tpu.enqueue_dma source(%dma_start3A_357 : memref<8x1024xf32, #tpu.memory_space<vmem>>) target(%dma_start3A_353 : memref<8x1024xf32, #tpu.memory_space<hbm>>) target_semaphore(%dma_start3A_351 : memref<!tpu.dma_semaphore, #tpu.memory_space<semaphore_mem>>)
    %add3A_358 = arith.constant 960 : i32
    %add3A_359 = arith.addi %mul3A_2, %add3A_358 : i32
    %dma_wait3A_360 = arith.constant 0 : i32
    %dma_wait3A_361 = arith.constant 0 : i32
    %dma_wait3A_362 = arith.constant 0 : i32
    %dma_wait3A_363 = arith.constant 0 : i32
    %dma_wait3A_364 = tpu.memref_slice %arg6[%dma_wait3A_360, %dma_wait3A_362, %dma_wait3A_363] : memref<8x8x1024xf32, #tpu.memory_space<vmem>> -> memref<1x8x1024xf32, #tpu.memory_space<vmem>>
    %dma_wait3A_365 = tpu.memref_squeeze %dma_wait3A_364 : memref<1x8x1024xf32, #tpu.memory_space<vmem>> -> memref<8x1024xf32, #tpu.memory_space<vmem>>
    %dma_wait3A_366 = arith.constant 0 : i32
    %dma_wait3A_367 = tpu.memref_slice %arg4[%add3A_359, %dma_wait3A_366] : memref<32768x1024xf32, #tpu.memory_space<hbm>> -> memref<8x1024xf32, #tpu.memory_space<hbm>>
    %dma_wait3A_368 = tpu.memref_slice %arg8[%dma_wait3A_361] : memref<8x!tpu.dma_semaphore, #tpu.memory_space<semaphore_mem>> -> memref<1x!tpu.dma_semaphore, #tpu.memory_space<semaphore_mem>>
    %dma_wait3A_369 = tpu.memref_squeeze %dma_wait3A_368 : memref<1x!tpu.dma_semaphore, #tpu.memory_space<semaphore_mem>> -> memref<!tpu.dma_semaphore, #tpu.memory_space<semaphore_mem>>
    %dma_wait3A_370 = arith.constant 0 : i32
    %dma_wait3A_371 = tpu.memref_slice %arg4[%add3A_359, %dma_wait3A_370] : memref<32768x1024xf32, #tpu.memory_space<hbm>> -> memref<8x1024xf32, #tpu.memory_space<hbm>>
    %dma_wait3A_372 = arith.constant 0 : i32
    %dma_wait3A_373 = arith.constant 0 : i32
    %dma_wait3A_374 = tpu.memref_slice %arg6[%dma_wait3A_360, %dma_wait3A_372, %dma_wait3A_373] : memref<8x8x1024xf32, #tpu.memory_space<vmem>> -> memref<1x8x1024xf32, #tpu.memory_space<vmem>>
    %dma_wait3A_375 = tpu.memref_squeeze %dma_wait3A_374 : memref<1x8x1024xf32, #tpu.memory_space<vmem>> -> memref<8x1024xf32, #tpu.memory_space<vmem>>
    tpu.wait_dma2 semaphore(%dma_wait3A_369 : memref<!tpu.dma_semaphore, #tpu.memory_space<semaphore_mem>>) src(%dma_wait3A_375 : memref<8x1024xf32, #tpu.memory_space<vmem>>) dst(%dma_wait3A_371 : memref<8x1024xf32, #tpu.memory_space<hbm>>)
    %add3A_376 = arith.constant 968 : i32
    %add3A_377 = arith.addi %mul3A_2, %add3A_376 : i32
    %dma_wait3A_378 = arith.constant 1 : i32
    %dma_wait3A_379 = arith.constant 1 : i32
    %dma_wait3A_380 = arith.constant 0 : i32
    %dma_wait3A_381 = arith.constant 0 : i32
    %dma_wait3A_382 = tpu.memref_slice %arg6[%dma_wait3A_378, %dma_wait3A_380, %dma_wait3A_381] : memref<8x8x1024xf32, #tpu.memory_space<vmem>> -> memref<1x8x1024xf32, #tpu.memory_space<vmem>>
    %dma_wait3A_383 = tpu.memref_squeeze %dma_wait3A_382 : memref<1x8x1024xf32, #tpu.memory_space<vmem>> -> memref<8x1024xf32, #tpu.memory_space<vmem>>
    %dma_wait3A_384 = arith.constant 0 : i32
    %dma_wait3A_385 = tpu.memref_slice %arg4[%add3A_377, %dma_wait3A_384] : memref<32768x1024xf32, #tpu.memory_space<hbm>> -> memref<8x1024xf32, #tpu.memory_space<hbm>>
    %dma_wait3A_386 = tpu.memref_slice %arg8[%dma_wait3A_379] : memref<8x!tpu.dma_semaphore, #tpu.memory_space<semaphore_mem>> -> memref<1x!tpu.dma_semaphore, #tpu.memory_space<semaphore_mem>>
    %dma_wait3A_387 = tpu.memref_squeeze %dma_wait3A_386 : memref<1x!tpu.dma_semaphore, #tpu.memory_space<semaphore_mem>> -> memref<!tpu.dma_semaphore, #tpu.memory_space<semaphore_mem>>
    %dma_wait3A_388 = arith.constant 0 : i32
    %dma_wait3A_389 = tpu.memref_slice %arg4[%add3A_377, %dma_wait3A_388] : memref<32768x1024xf32, #tpu.memory_space<hbm>> -> memref<8x1024xf32, #tpu.memory_space<hbm>>
    %dma_wait3A_390 = arith.constant 0 : i32
    %dma_wait3A_391 = arith.constant 0 : i32
    %dma_wait3A_392 = tpu.memref_slice %arg6[%dma_wait3A_378, %dma_wait3A_390, %dma_wait3A_391] : memref<8x8x1024xf32, #tpu.memory_space<vmem>> -> memref<1x8x1024xf32, #tpu.memory_space<vmem>>
    %dma_wait3A_393 = tpu.memref_squeeze %dma_wait3A_392 : memref<1x8x1024xf32, #tpu.memory_space<vmem>> -> memref<8x1024xf32, #tpu.memory_space<vmem>>
    tpu.wait_dma2 semaphore(%dma_wait3A_387 : memref<!tpu.dma_semaphore, #tpu.memory_space<semaphore_mem>>) src(%dma_wait3A_393 : memref<8x1024xf32, #tpu.memory_space<vmem>>) dst(%dma_wait3A_389 : memref<8x1024xf32, #tpu.memory_space<hbm>>)
    %add3A_394 = arith.constant 976 : i32
    %add3A_395 = arith.addi %mul3A_2, %add3A_394 : i32
    %dma_wait3A_396 = arith.constant 2 : i32
    %dma_wait3A_397 = arith.constant 2 : i32
    %dma_wait3A_398 = arith.constant 0 : i32
    %dma_wait3A_399 = arith.constant 0 : i32
    %dma_wait3A_400 = tpu.memref_slice %arg6[%dma_wait3A_396, %dma_wait3A_398, %dma_wait3A_399] : memref<8x8x1024xf32, #tpu.memory_space<vmem>> -> memref<1x8x1024xf32, #tpu.memory_space<vmem>>
    %dma_wait3A_401 = tpu.memref_squeeze %dma_wait3A_400 : memref<1x8x1024xf32, #tpu.memory_space<vmem>> -> memref<8x1024xf32, #tpu.memory_space<vmem>>
    %dma_wait3A_402 = arith.constant 0 : i32
    %dma_wait3A_403 = tpu.memref_slice %arg4[%add3A_395, %dma_wait3A_402] : memref<32768x1024xf32, #tpu.memory_space<hbm>> -> memref<8x1024xf32, #tpu.memory_space<hbm>>
    %dma_wait3A_404 = tpu.memref_slice %arg8[%dma_wait3A_397] : memref<8x!tpu.dma_semaphore, #tpu.memory_space<semaphore_mem>> -> memref<1x!tpu.dma_semaphore, #tpu.memory_space<semaphore_mem>>
    %dma_wait3A_405 = tpu.memref_squeeze %dma_wait3A_404 : memref<1x!tpu.dma_semaphore, #tpu.memory_space<semaphore_mem>> -> memref<!tpu.dma_semaphore, #tpu.memory_space<semaphore_mem>>
    %dma_wait3A_406 = arith.constant 0 : i32
    %dma_wait3A_407 = tpu.memref_slice %arg4[%add3A_395, %dma_wait3A_406] : memref<32768x1024xf32, #tpu.memory_space<hbm>> -> memref<8x1024xf32, #tpu.memory_space<hbm>>
    %dma_wait3A_408 = arith.constant 0 : i32
    %dma_wait3A_409 = arith.constant 0 : i32
    %dma_wait3A_410 = tpu.memref_slice %arg6[%dma_wait3A_396, %dma_wait3A_408, %dma_wait3A_409] : memref<8x8x1024xf32, #tpu.memory_space<vmem>> -> memref<1x8x1024xf32, #tpu.memory_space<vmem>>
    %dma_wait3A_411 = tpu.memref_squeeze %dma_wait3A_410 : memref<1x8x1024xf32, #tpu.memory_space<vmem>> -> memref<8x1024xf32, #tpu.memory_space<vmem>>
    tpu.wait_dma2 semaphore(%dma_wait3A_405 : memref<!tpu.dma_semaphore, #tpu.memory_space<semaphore_mem>>) src(%dma_wait3A_411 : memref<8x1024xf32, #tpu.memory_space<vmem>>) dst(%dma_wait3A_407 : memref<8x1024xf32, #tpu.memory_space<hbm>>)
    %add3A_412 = arith.constant 984 : i32
    %add3A_413 = arith.addi %mul3A_2, %add3A_412 : i32
    %dma_wait3A_414 = arith.constant 3 : i32
    %dma_wait3A_415 = arith.constant 3 : i32
    %dma_wait3A_416 = arith.constant 0 : i32
    %dma_wait3A_417 = arith.constant 0 : i32
    %dma_wait3A_418 = tpu.memref_slice %arg6[%dma_wait3A_414, %dma_wait3A_416, %dma_wait3A_417] : memref<8x8x1024xf32, #tpu.memory_space<vmem>> -> memref<1x8x1024xf32, #tpu.memory_space<vmem>>
    %dma_wait3A_419 = tpu.memref_squeeze %dma_wait3A_418 : memref<1x8x1024xf32, #tpu.memory_space<vmem>> -> memref<8x1024xf32, #tpu.memory_space<vmem>>
    %dma_wait3A_420 = arith.constant 0 : i32
    %dma_wait3A_421 = tpu.memref_slice %arg4[%add3A_413, %dma_wait3A_420] : memref<32768x1024xf32, #tpu.memory_space<hbm>> -> memref<8x1024xf32, #tpu.memory_space<hbm>>
    %dma_wait3A_422 = tpu.memref_slice %arg8[%dma_wait3A_415] : memref<8x!tpu.dma_semaphore, #tpu.memory_space<semaphore_mem>> -> memref<1x!tpu.dma_semaphore, #tpu.memory_space<semaphore_mem>>
    %dma_wait3A_423 = tpu.memref_squeeze %dma_wait3A_422 : memref<1x!tpu.dma_semaphore, #tpu.memory_space<semaphore_mem>> -> memref<!tpu.dma_semaphore, #tpu.memory_space<semaphore_mem>>
    %dma_wait3A_424 = arith.constant 0 : i32
    %dma_wait3A_425 = tpu.memref_slice %arg4[%add3A_413, %dma_wait3A_424] : memref<32768x1024xf32, #tpu.memory_space<hbm>> -> memref<8x1024xf32, #tpu.memory_space<hbm>>
    %dma_wait3A_426 = arith.constant 0 : i32
    %dma_wait3A_427 = arith.constant 0 : i32
    %dma_wait3A_428 = tpu.memref_slice %arg6[%dma_wait3A_414, %dma_wait3A_426, %dma_wait3A_427] : memref<8x8x1024xf32, #tpu.memory_space<vmem>> -> memref<1x8x1024xf32, #tpu.memory_space<vmem>>
    %dma_wait3A_429 = tpu.memref_squeeze %dma_wait3A_428 : memref<1x8x1024xf32, #tpu.memory_space<vmem>> -> memref<8x1024xf32, #tpu.memory_space<vmem>>
    tpu.wait_dma2 semaphore(%dma_wait3A_423 : memref<!tpu.dma_semaphore, #tpu.memory_space<semaphore_mem>>) src(%dma_wait3A_429 : memref<8x1024xf32, #tpu.memory_space<vmem>>) dst(%dma_wait3A_425 : memref<8x1024xf32, #tpu.memory_space<hbm>>)
    %add3A_430 = arith.constant 992 : i32
    %add3A_431 = arith.addi %mul3A_2, %add3A_430 : i32
    %dma_wait3A_432 = arith.constant 4 : i32
    %dma_wait3A_433 = arith.constant 4 : i32
    %dma_wait3A_434 = arith.constant 0 : i32
    %dma_wait3A_435 = arith.constant 0 : i32
    %dma_wait3A_436 = tpu.memref_slice %arg6[%dma_wait3A_432, %dma_wait3A_434, %dma_wait3A_435] : memref<8x8x1024xf32, #tpu.memory_space<vmem>> -> memref<1x8x1024xf32, #tpu.memory_space<vmem>>
    %dma_wait3A_437 = tpu.memref_squeeze %dma_wait3A_436 : memref<1x8x1024xf32, #tpu.memory_space<vmem>> -> memref<8x1024xf32, #tpu.memory_space<vmem>>
    %dma_wait3A_438 = arith.constant 0 : i32
    %dma_wait3A_439 = tpu.memref_slice %arg4[%add3A_431, %dma_wait3A_438] : memref<32768x1024xf32, #tpu.memory_space<hbm>> -> memref<8x1024xf32, #tpu.memory_space<hbm>>
    %dma_wait3A_440 = tpu.memref_slice %arg8[%dma_wait3A_433] : memref<8x!tpu.dma_semaphore, #tpu.memory_space<semaphore_mem>> -> memref<1x!tpu.dma_semaphore, #tpu.memory_space<semaphore_mem>>
    %dma_wait3A_441 = tpu.memref_squeeze %dma_wait3A_440 : memref<1x!tpu.dma_semaphore, #tpu.memory_space<semaphore_mem>> -> memref<!tpu.dma_semaphore, #tpu.memory_space<semaphore_mem>>
    %dma_wait3A_442 = arith.constant 0 : i32
    %dma_wait3A_443 = tpu.memref_slice %arg4[%add3A_431, %dma_wait3A_442] : memref<32768x1024xf32, #tpu.memory_space<hbm>> -> memref<8x1024xf32, #tpu.memory_space<hbm>>
    %dma_wait3A_444 = arith.constant 0 : i32
    %dma_wait3A_445 = arith.constant 0 : i32
    %dma_wait3A_446 = tpu.memref_slice %arg6[%dma_wait3A_432, %dma_wait3A_444, %dma_wait3A_445] : memref<8x8x1024xf32, #tpu.memory_space<vmem>> -> memref<1x8x1024xf32, #tpu.memory_space<vmem>>
    %dma_wait3A_447 = tpu.memref_squeeze %dma_wait3A_446 : memref<1x8x1024xf32, #tpu.memory_space<vmem>> -> memref<8x1024xf32, #tpu.memory_space<vmem>>
    tpu.wait_dma2 semaphore(%dma_wait3A_441 : memref<!tpu.dma_semaphore, #tpu.memory_space<semaphore_mem>>) src(%dma_wait3A_447 : memref<8x1024xf32, #tpu.memory_space<vmem>>) dst(%dma_wait3A_443 : memref<8x1024xf32, #tpu.memory_space<hbm>>)
    %add3A_448 = arith.constant 1000 : i32
    %add3A_449 = arith.addi %mul3A_2, %add3A_448 : i32
    %dma_wait3A_450 = arith.constant 5 : i32
    %dma_wait3A_451 = arith.constant 5 : i32
    %dma_wait3A_452 = arith.constant 0 : i32
    %dma_wait3A_453 = arith.constant 0 : i32
    %dma_wait3A_454 = tpu.memref_slice %arg6[%dma_wait3A_450, %dma_wait3A_452, %dma_wait3A_453] : memref<8x8x1024xf32, #tpu.memory_space<vmem>> -> memref<1x8x1024xf32, #tpu.memory_space<vmem>>
    %dma_wait3A_455 = tpu.memref_squeeze %dma_wait3A_454 : memref<1x8x1024xf32, #tpu.memory_space<vmem>> -> memref<8x1024xf32, #tpu.memory_space<vmem>>
    %dma_wait3A_456 = arith.constant 0 : i32
    %dma_wait3A_457 = tpu.memref_slice %arg4[%add3A_449, %dma_wait3A_456] : memref<32768x1024xf32, #tpu.memory_space<hbm>> -> memref<8x1024xf32, #tpu.memory_space<hbm>>
    %dma_wait3A_458 = tpu.memref_slice %arg8[%dma_wait3A_451] : memref<8x!tpu.dma_semaphore, #tpu.memory_space<semaphore_mem>> -> memref<1x!tpu.dma_semaphore, #tpu.memory_space<semaphore_mem>>
    %dma_wait3A_459 = tpu.memref_squeeze %dma_wait3A_458 : memref<1x!tpu.dma_semaphore, #tpu.memory_space<semaphore_mem>> -> memref<!tpu.dma_semaphore, #tpu.memory_space<semaphore_mem>>
    %dma_wait3A_460 = arith.constant 0 : i32
    %dma_wait3A_461 = tpu.memref_slice %arg4[%add3A_449, %dma_wait3A_460] : memref<32768x1024xf32, #tpu.memory_space<hbm>> -> memref<8x1024xf32, #tpu.memory_space<hbm>>
    %dma_wait3A_462 = arith.constant 0 : i32
    %dma_wait3A_463 = arith.constant 0 : i32
    %dma_wait3A_464 = tpu.memref_slice %arg6[%dma_wait3A_450, %dma_wait3A_462, %dma_wait3A_463] : memref<8x8x1024xf32, #tpu.memory_space<vmem>> -> memref<1x8x1024xf32, #tpu.memory_space<vmem>>
    %dma_wait3A_465 = tpu.memref_squeeze %dma_wait3A_464 : memref<1x8x1024xf32, #tpu.memory_space<vmem>> -> memref<8x1024xf32, #tpu.memory_space<vmem>>
    tpu.wait_dma2 semaphore(%dma_wait3A_459 : memref<!tpu.dma_semaphore, #tpu.memory_space<semaphore_mem>>) src(%dma_wait3A_465 : memref<8x1024xf32, #tpu.memory_space<vmem>>) dst(%dma_wait3A_461 : memref<8x1024xf32, #tpu.memory_space<hbm>>)
    %add3A_466 = arith.constant 1008 : i32
    %add3A_467 = arith.addi %mul3A_2, %add3A_466 : i32
    %dma_wait3A_468 = arith.constant 6 : i32
    %dma_wait3A_469 = arith.constant 6 : i32
    %dma_wait3A_470 = arith.constant 0 : i32
    %dma_wait3A_471 = arith.constant 0 : i32
    %dma_wait3A_472 = tpu.memref_slice %arg6[%dma_wait3A_468, %dma_wait3A_470, %dma_wait3A_471] : memref<8x8x1024xf32, #tpu.memory_space<vmem>> -> memref<1x8x1024xf32, #tpu.memory_space<vmem>>
    %dma_wait3A_473 = tpu.memref_squeeze %dma_wait3A_472 : memref<1x8x1024xf32, #tpu.memory_space<vmem>> -> memref<8x1024xf32, #tpu.memory_space<vmem>>
    %dma_wait3A_474 = arith.constant 0 : i32
    %dma_wait3A_475 = tpu.memref_slice %arg4[%add3A_467, %dma_wait3A_474] : memref<32768x1024xf32, #tpu.memory_space<hbm>> -> memref<8x1024xf32, #tpu.memory_space<hbm>>
    %dma_wait3A_476 = tpu.memref_slice %arg8[%dma_wait3A_469] : memref<8x!tpu.dma_semaphore, #tpu.memory_space<semaphore_mem>> -> memref<1x!tpu.dma_semaphore, #tpu.memory_space<semaphore_mem>>
    %dma_wait3A_477 = tpu.memref_squeeze %dma_wait3A_476 : memref<1x!tpu.dma_semaphore, #tpu.memory_space<semaphore_mem>> -> memref<!tpu.dma_semaphore, #tpu.memory_space<semaphore_mem>>
    %dma_wait3A_478 = arith.constant 0 : i32
    %dma_wait3A_479 = tpu.memref_slice %arg4[%add3A_467, %dma_wait3A_478] : memref<32768x1024xf32, #tpu.memory_space<hbm>> -> memref<8x1024xf32, #tpu.memory_space<hbm>>
    %dma_wait3A_480 = arith.constant 0 : i32
    %dma_wait3A_481 = arith.constant 0 : i32
    %dma_wait3A_482 = tpu.memref_slice %arg6[%dma_wait3A_468, %dma_wait3A_480, %dma_wait3A_481] : memref<8x8x1024xf32, #tpu.memory_space<vmem>> -> memref<1x8x1024xf32, #tpu.memory_space<vmem>>
    %dma_wait3A_483 = tpu.memref_squeeze %dma_wait3A_482 : memref<1x8x1024xf32, #tpu.memory_space<vmem>> -> memref<8x1024xf32, #tpu.memory_space<vmem>>
    tpu.wait_dma2 semaphore(%dma_wait3A_477 : memref<!tpu.dma_semaphore, #tpu.memory_space<semaphore_mem>>) src(%dma_wait3A_483 : memref<8x1024xf32, #tpu.memory_space<vmem>>) dst(%dma_wait3A_479 : memref<8x1024xf32, #tpu.memory_space<hbm>>)
    %add3A_484 = arith.constant 1016 : i32
    %add3A_485 = arith.addi %mul3A_2, %add3A_484 : i32
    %dma_wait3A_486 = arith.constant 7 : i32
    %dma_wait3A_487 = arith.constant 7 : i32
    %dma_wait3A_488 = arith.constant 0 : i32
    %dma_wait3A_489 = arith.constant 0 : i32
    %dma_wait3A_490 = tpu.memref_slice %arg6[%dma_wait3A_486, %dma_wait3A_488, %dma_wait3A_489] : memref<8x8x1024xf32, #tpu.memory_space<vmem>> -> memref<1x8x1024xf32, #tpu.memory_space<vmem>>
    %dma_wait3A_491 = tpu.memref_squeeze %dma_wait3A_490 : memref<1x8x1024xf32, #tpu.memory_space<vmem>> -> memref<8x1024xf32, #tpu.memory_space<vmem>>
    %dma_wait3A_492 = arith.constant 0 : i32
    %dma_wait3A_493 = tpu.memref_slice %arg4[%add3A_485, %dma_wait3A_492] : memref<32768x1024xf32, #tpu.memory_space<hbm>> -> memref<8x1024xf32, #tpu.memory_space<hbm>>
    %dma_wait3A_494 = tpu.memref_slice %arg8[%dma_wait3A_487] : memref<8x!tpu.dma_semaphore, #tpu.memory_space<semaphore_mem>> -> memref<1x!tpu.dma_semaphore, #tpu.memory_space<semaphore_mem>>
    %dma_wait3A_495 = tpu.memref_squeeze %dma_wait3A_494 : memref<1x!tpu.dma_semaphore, #tpu.memory_space<semaphore_mem>> -> memref<!tpu.dma_semaphore, #tpu.memory_space<semaphore_mem>>
    %dma_wait3A_496 = arith.constant 0 : i32
    %dma_wait3A_497 = tpu.memref_slice %arg4[%add3A_485, %dma_wait3A_496] : memref<32768x1024xf32, #tpu.memory_space<hbm>> -> memref<8x1024xf32, #tpu.memory_space<hbm>>
    %dma_wait3A_498 = arith.constant 0 : i32
    %dma_wait3A_499 = arith.constant 0 : i32
    %dma_wait3A_500 = tpu.memref_slice %arg6[%dma_wait3A_486, %dma_wait3A_498, %dma_wait3A_499] : memref<8x8x1024xf32, #tpu.memory_space<vmem>> -> memref<1x8x1024xf32, #tpu.memory_space<vmem>>
    %dma_wait3A_501 = tpu.memref_squeeze %dma_wait3A_500 : memref<1x8x1024xf32, #tpu.memory_space<vmem>> -> memref<8x1024xf32, #tpu.memory_space<vmem>>
    tpu.wait_dma2 semaphore(%dma_wait3A_495 : memref<!tpu.dma_semaphore, #tpu.memory_space<semaphore_mem>>) src(%dma_wait3A_501 : memref<8x1024xf32, #tpu.memory_space<vmem>>) dst(%dma_wait3A_497 : memref<8x1024xf32, #tpu.memory_space<hbm>>)
    return
  }
}

</mosaic_0001>

<sc_bundles>
// kernel: kernel.3.cloned.1.call-start
scs
__scs_entry_jumppad:
0x0: {  	(pc) =	sbr.rel $0x88, $3  }
0x1: {  	(tag) =	ssettag $0x0;
	lr =	simm.s32 $0x1  }
0x2: {  	[smem:$0x3F9F] =	sst lr;
	_ =	strace $0xD0000000  }
0x3: {  	_ = 	snop  }
0x4: {  	_ = 	snop  }
0x5: {  	_ = 	snop  }
0x6: {  	_ = 	snop  }
0x7: {  	_ = 	snop  }
__scs_overlays_trampoline_lowered:
0x8: {  	[smem:$0x3FAE] =	sst s0  }
0x9: {  	[smem:$0x3FAF] =	sst s1  }
0xa: {  	[smem:$0x3FB0] =	sst s2  }
0xb: {  	[smem:$0x3FB1] =	sst s3  }
0xc: {  	[smem:$0x3FB2] =	sst s4  }
0xd: {  	[smem:$0x3FB3] =	sst s5  }
0xe: {  	[smem:$0x3FB4] =	sst s6  }
0xf: {  	[smem:$0x3FB5] =	sst s7  }
0x10: {  	[smem:$0x3FB6] =	sst s8  }
0x11: {  	[smem:$0x3FB7] =	sst s9;
	s0 =	simm.s32 @!p0 $0x0  }
0x12: {  	s1 =	sld [smem:$0x3F9D];
	s0 =	simm.s32 @p0 $0x1  }
0x13: {  	[smem:$0x3FB8] =	sst s0;
	s0 =	simm.s32 @!p1 $0x0  }
0x14: {  	s2 =	sld [smem:$0x3F9C];
	s0 =	simm.s32 @p1 $0x1  }
0x15: {  	[smem:$0x3FB9] =	sst s0;
	s0 =	simm.s32 @!p2 $0x0  }
0x16: {  	s3 =	sld [smem:$0x3FDB];
	s0 =	simm.s32 @p2 $0x1  }
0x17: {  	s4 =	simm.s32 $0x1BF5;
	[smem:$0x3FBB] =	sst s0  }
0x18: {  	s0 =	sld [smem:$0x3F9E];
	_ =	swait.ge [sflag:s4], $0x0  }
0x19: {  	s7 =	sld [smem:$0x3F9F]  }
0x1a: {  	s8 =	sadd.s32 $0xFFFFE003, lr  }
0x1b: {  	s9 =	sadd.s32 $0xFFFFFEF7, lr;
	s5 =	simm.s32 $0xFFFFFFFF;
	p2 =	slt.u32 s8, $0xFFFFF086  }
0x1c: {  	p1 =	slt.u32 s9, $0xF7A;
	s5 =	simm.s32 @!p2 $0x0  }
0x1d: {  	s5 =	simm.s32 @p1 $0x1;
	p0 =	seq.s32 s7, s2  }
0x1e: {  	s7 =	smul.u32 @!p0 $0xF7A, s2;
	p2 =	seq.s32 @!p0 s5, $0x0  }
0x1f: {  	s9 =	smul.u32 $0xF7A, s1;
	s8 =	simm.s32 @!p0 $0x1BF5;
	p2 =	por !p2, p0  }
0x20: {  	[sflag:s8] =	ssyncset.s32 @!p0 $0xFFFFF086;
	s6 =	sadd.s32 @!p0 s3, s7;
	s7 =	simm.s32 @!p0 $0x108  }
0x21: {  	s3 =	sadd.s32 s3, s9;
	s6 =	sadd.s32 @!p0 $0x88, s6;
	s7 =	simm.s32 @p2 $0x1082  }
0x22: {  	[simem:s7], [sflag:s8] =	dma.local @!p0 [hbm:s6], $0xF7A  }
0x23: {  	s9 =	sor.u32 $0xD0000000, s2;
	s6 =	simm.s32 $0x108;
	_ =	swait.ge @!p0 [sflag:s8], $0x0  }
0x24: {  	s3 =	sadd.s32 $0x88, s3;
	s6 =	simm.s32 @!p1 $0x1082;
	[sflag:s4] =	ssyncset.s32 $0xFFFFF086  }
0x25: {  	[simem:s6], [sflag:s4] =	dma.local [hbm:s3], $0xF7A  }
0x26: {  	[smem:$0x3F9F] =	sst s1;
	(tag) =	ssettag s2;
	_ =	strace s9  }
0x27: {  	s1 =	sld [smem:$0x3FAF]  }
0x28: {  	s2 =	sld [smem:$0x3FB0]  }
0x29: {  	s4 =	sld [smem:$0x3FB2]  }
0x2a: {  	p0 =	seq.s32 s5, $0x0;
	s5 =	sld [smem:$0x3FB3]  }
0x2b: {  	s6 =	sld [smem:$0x3FB4]  }
0x2c: {  	s7 =	sld [smem:$0x3FB5]  }
0x2d: {  	s3 =	simm.s32 $0x108;
	s8 =	sld [smem:$0x3FB6]  }
0x2e: {  	s3 =	simm.s32 @!p0 $0x1082;
	s9 =	sld [smem:$0x3FB7]  }
0x2f: {  	lr =	sadd.s32 s0, s3;
	s0 =	sld [smem:$0x3FAE]  }
0x30: {  	s3 =	sld [smem:$0x3FB1]  }
0x31: {  	[smem:$0x3FBA] =	sst s10  }
0x32: {  	s10 =	sld [smem:$0x3FB8];
	_ =	sdelay $0x3  }
0x33: {  	p0 =	seq.s32 s10, $0x1;
	s10 =	sld [smem:$0x3FBA];
	_ =	sdelay $0x3  }
0x34: {  	[smem:$0x3FBA] =	sst s10  }
0x35: {  	s10 =	sld [smem:$0x3FB9];
	_ =	sdelay $0x3  }
0x36: {  	p1 =	seq.s32 s10, $0x1;
	s10 =	sld [smem:$0x3FBA];
	_ =	sdelay $0x3  }
0x37: {  	[smem:$0x3FBA] =	sst s10  }
0x38: {  	s10 =	sld [smem:$0x3FBB]  }
0x39: {  	_ = 	snop;
	(pc) =	sbr.ind lr, $3  }
0x3a: {  	_ = 	snop  }
0x3b: {  	_ = 	snop  }
0x3c: {  	p2 =	seq.s32 s10, $0x1;
	s10 =	sld [smem:$0x3FBA]  }
0x3d: {  	_ =	shalt  }
0x3e: {  	_ =	shalt  }
0x3f: {  	_ =	shalt  }
0x40: {  	_ =	shalt  }
0x41: {  	_ =	shalt  }
0x42: {  	_ =	shalt  }
0x43: {  	_ =	shalt  }
0x44: {  	_ =	shalt  }
0x45: {  	_ =	shalt  }
0x46: {  	_ =	shalt  }
0x47: {  	_ =	shalt  }
0x48: {  	_ =	shalt  }
0x49: {  	_ =	shalt  }
0x4a: {  	_ =	shalt  }
0x4b: {  	_ =	shalt  }
0x4c: {  	_ =	shalt  }
0x4d: {  	_ =	shalt  }
0x4e: {  	_ =	shalt  }
0x4f: {  	_ =	shalt  }
0x50: {  	_ =	shalt  }
0x51: {  	_ =	shalt  }
0x52: {  	_ =	shalt  }
0x53: {  	_ =	shalt  }
0x54: {  	_ =	shalt  }
0x55: {  	_ =	shalt  }
0x56: {  	_ =	shalt  }
0x57: {  	_ =	shalt  }
0x58: {  	_ =	shalt  }
0x59: {  	_ =	shalt  }
0x5a: {  	_ =	shalt  }
0x5b: {  	_ =	shalt  }
0x5c: {  	_ =	shalt  }
0x5d: {  	_ =	shalt  }
0x5e: {  	_ =	shalt  }
0x5f: {  	_ =	shalt  }
0x60: {  	_ =	shalt  }
0x61: {  	_ =	shalt  }
0x62: {  	_ =	shalt  }
0x63: {  	_ =	shalt  }
0x64: {  	_ =	shalt  }
0x65: {  	_ =	shalt  }
0x66: {  	_ =	shalt  }
0x67: {  	_ =	shalt  }
0x68: {  	_ =	shalt  }
0x69: {  	_ =	shalt  }
0x6a: {  	_ =	shalt  }
0x6b: {  	_ =	shalt  }
0x6c: {  	_ =	shalt  }
0x6d: {  	_ =	shalt  }
0x6e: {  	_ =	shalt  }
0x6f: {  	_ =	shalt  }
0x70: {  	_ =	shalt  }
0x71: {  	_ =	shalt  }
0x72: {  	_ =	shalt  }
0x73: {  	_ =	shalt  }
0x74: {  	_ =	shalt  }
0x75: {  	_ =	shalt  }
0x76: {  	_ =	shalt  }
0x77: {  	_ =	shalt  }
0x78: {  	_ =	shalt  }
0x79: {  	_ =	shalt  }
0x7a: {  	_ =	shalt  }
0x7b: {  	_ =	shalt  }
0x7c: {  	_ =	shalt  }
0x7d: {  	_ =	shalt  }
0x7e: {  	_ =	shalt  }
0x7f: {  	_ =	shalt  }
0x80: {  	_ =	shalt  }
0x81: {  	_ =	shalt  }
0x82: {  	_ =	shalt  }
0x83: {  	_ =	shalt  }
0x84: {  	_ =	shalt  }
0x85: {  	_ =	shalt  }
0x86: {  	_ =	shalt  }
0x87: {  	_ =	shalt  }
.Lfunc_end0:
.L_simem_size_0:
called_computation_lowered:
.L_overlay_start_0:
0x88: {  	s2 =	sld [smem:$0x3FD9]  }
0x89: {  	s3 =	sld [smem:$0x3FFE];
	_ =	sdelay $0x1  }
0x8a: {  	s1 =	srdreg.scid  }
0x8b: {  	s0 =	sand.u32 $0x1, s1  }
0x8c: {  	s17 =	sshll.u32 s0, $0xA;
	s2 =	sadd.s32 s3, s2  }
0x8d: {  	s2 =	sadd.s32 s2, s17  }
0x8e: {  	[smem:$0x3FC6] =	sst s2  }
0x8f: {  	_ = 	snop  }
0x90: {  	s2 =	sld [smem:$0x3FC8]  }
0x91: {  	s18 =	sld [smem:$0x3FD0];
	(tm) =	ssettm $0x1  }
0x92: {  	s4 =	sld [smem:$0x3FFB];
	_ =	sdelay $0x3  }
0x93: {  	_ =	strace s4  }
0x94: {  	s4 =	sld [smem:$0x3FFC];
	_ =	sdelay $0x3  }
0x95: {  	_ =	strace s4  }
0x96: {  	s4 =	sld [smem:$0x3FFD];
	_ =	sdelay $0x3  }
0x97: {  	_ =	strace s4  }
0x98: {  	_ =	strace $0x8FFFFFFF  }
0x99: {  	s19 =	sld [smem:$0x3FDB];
	_ =	sdelay $0x1  }
0x9a: {  	s5 =	simm.s32 $_scs_section_size  }
0x9b: {  	s6 =	simm.s32 $_size__tile_overlayer_lowered;
	s7 =	simm.s32 $_tile_overlayer_lowered  }
0x9c: {  	s22 =	simm.s32 $0x1BFF;
	s21 =	sshll.u32 s7, $0x1;
	s4 =	sadd.s32 s5, s19  }
0x9d: {  	s8 =	simm.s32 $0x0;
	s20 =	sshll.u32 s6, $0x1;
	s6 =	sadd.s32 s21, s4  }
0x9e: {  	[timem:s8], [sflag:s22] =	dma.local [hbm:s6], s20  }
0x9f: {  	_ =	swait.ge [sflag:s22], s20  }
0xa0: {  	s5 =	ssub.s32 $0x0, s20;
	[sflag:s22] =	ssyncset.done $0x0  }
0xa1: {  	[sflag:s22] =	ssyncadd.s32 s5;
	_ =	sdelay $0x1  }
0xa2: {  	s23 =	simm.s32 $0x1B8B  }
0xa3: {  	_ =	swait.ge [sflag:s23], $0x1  }
0xa4: {  	[sflag:s23] =	ssyncset.done $0x0  }
0xa5: {  	s25 =	simm.s32 $0x1B8E;
	s24 =	sld [smem:$0x3FFE];
	[sflag:s23] =	ssyncadd.s32 $0xFFFFFFFF  }
0xa6: {  	s26 =	simm.s32 $execute0_lowered;
	[smem:$0x3FD2] =	sst s25  }
0xa7: {  	s6 =	sshll.u32 s26, $0x1;
	_ =	strace $0x80000046;
	[dreg:$0x1] =	wrdreg $0xFFFFFFFF  }
0xa8: {  	s28 =	simm.s32 $_size_execute0_lowered;
	s4 =	sadd.s32 s4, s6;
	[dreg:$0x0] =	wrdreg $0x0  }
0xa9: {  	s6 =	sshll.u32 s28, $0x1;
	[dreg:$0x2] =	wrdreg s4  }
0xaa: {  	[dreg:$0x3] =	wrdreg s6  }
0xab: {  	[dreg:$0x4] =	wrdreg $0xC0  }
0xac: {  	_ =	task [dreg:s8], $0x5FFFF  }
0xad: {  	[dreg:$0x1] =	wrdreg $0xFFFFFFFF  }
0xae: {  	[dreg:$0x0] =	wrdreg $0x60  }
0xaf: {  	[dreg:$0x2] =	wrdreg s24  }
0xb0: {  	[dreg:$0x3] =	wrdreg s2  }
0xb1: {  	[dreg:$0x4] =	wrdreg s18  }
0xb2: {  	[dreg:$0x5] =	wrdreg $0x9  }
0xb3: {  	_ =	task.clear_ibuf [dreg:s8], $0x6FFFF;
	_ =	strace $0x90000046  }
0xb4: {  	s29 =	simm.s32 $0x9;
	_ =	strace $0x80000048  }
0xb5: {  	_ =	swait.ge [sflag:s29], $0x1  }
0xb6: {  	[sflag:s29] =	ssyncadd.s32 $0xFFFFFFFF  }
0xb7: {  	_ =	strace $0x90000048  }
0xb8: {  	_ =	sfence  }
0xb9: {  	s30 =	sld [smem:$0x0];
	_ =	sdelay $0x2  }
0xba: {  	s31 =	sshll.u32 s1, $0xD;
	s1 =	sshrl.u32 s1, $0x2  }
0xbb: {  	s3 =	sand.u32 $0x4000, s31;
	s1 =	sadd.s32 s1, s30  }
0xbc: {  	s0 =	sor.u32 s3, s0;
	s1 =	sshll.u32 s1, $0x11  }
0xbd: {  	s0 =	sor.u32 s1, s0  }
0xbe: {  	s0 =	sadd.s32 $0x8F2B, s0  }
0xbf: {  	[sflag:s0] =	ssyncadd.remote.s32 $0x1  }
0xc0: {  	_ =	sfence.sel $0xFFFF  }
0xc1: {  	[dreg:$0x0] =	wrdreg $0xFFFFFFFF;
	(pc) =	sbr.abs _section_cstart, $3  }
0xc2: {  	[dreg:$0x1] =	wrdreg $0xFFFFFFFF  }
0xc3: {  	_ =	task.clear_ibuf [dreg:s8], $0x2FFFF;
	_ =	strace $0x9FFFFFFF  }
0xc4: {  	(tm) =	ssettm $0x7FFFFFFF  }
0xc5: {  	_ =	shalt  }
tec
execute0_lowered:
.L_overlay_start_1:
0x0: {  	(tag) =	ssettag $0x1  }
0x1: {  	s0 =	rddreg [dreg:$0x0]  }
0x2: {  	s2 =	rddreg [dreg:$0x1]  }
0x3: {  	s1 =	rddreg [dreg:$0x2]  }
0x4: {  	s3 =	srdreg.scid;
	s9 =	stileid.u32;
	s13 =	simm.s32 $0xC00  }
0x5: {  	s11 =	simm.s32 $0x3C00;
	s12 =	simm.s32 $0x4400;
	s31 =	simm.s32 $0x6400  }
0x6: {  	s28 =	simm.s32 $0xA400;
	s29 =	simm.s32 $0xAC00;
	s30 =	simm.s32 $0xCC00  }
0x7: {  	s14 =	simm.s32 $0xB;
	s15 =	simm.s32 $0x4;
	s4 =	sand.u32 $0x1, s3  }
0x8: {  	s3 =	simm.s32 $0x0;
	s5 =	sshll.u32 s9, $0xB;
	s9 =	sshll.u32 s9, $0x12  }
0x9: {  	s6 =	sshll.u32 s4, $0xA;
	[smem:$0x7FF] =	sst s3;
	s16 =	ssub.s32 $0x2, s4  }
0xa: {  	s4 =	sshll.u32 s4, $0x11;
	s5 =	sor.u32 s6, s5;
	_ =	strace $0x80000047  }
0xb: {  	s8 =	sshrl.u32 s16, $0x1;
	s6 =	sadd.s32 $0x200, s2;
	s7 =	sshrl.u32 s5, $0x3  }
0xc: {  	s8 =	ssub.s32 s16, s8;
	s17 =	sshll.u32 s5, $0x7;
	s5 =	sadd.s32 $0x100, s2  }
0xd: {  	s16 =	simm.s32 $0x8400;
	s0 =	sadd.s32 s7, s0;
	s25 =	smax.u32 s8, $0x1  }
0xe: {  	s18 =	sadd.s32 s17, s1;
	s0 =	sadd.s32 $0x400, s0;
	[dreg:$0xe] =	wrdreg s25  }
0xf: {  	s7 =	sadd.s32 $0x300, s2;
	s10 =	sadd.s32 $0x1E000, s18;
	[dreg:$0x5] =	wrdreg s0  }
0x10: {  	s1 =	sadd.s32 s9, s1;
	s19 =	sadd.s32 $0x1E400, s18;
	[dreg:$0x6] =	wrdreg s10  }
0x11: {  	s8 =	simm.s32 $0x2400;
	s20 =	sadd.s32 $0x1E800, s18;
	[dreg:$0x7] =	wrdreg s19  }
0x12: {  	s9 =	simm.s32 $0x2C00;
	s21 =	sadd.s32 $0x1EC00, s18;
	[dreg:$0x8] =	wrdreg s20  }
0x13: {  	s17 =	simm.s32 $0x8;
	s22 =	sadd.s32 $0x1F000, s18;
	[dreg:$0x9] =	wrdreg s21  }
0x14: {  	s23 =	sadd.s32 $0x1F400, s18;
	s24 =	sadd.s32 $0x1F800, s18;
	[dreg:$0xa] =	wrdreg s22  }
0x15: {  	s26 =	sadd.s32 s4, s1;
	s25 =	simm.s32 $0x1C00;
	[dreg:$0xb] =	wrdreg s23  }
0x16: {  	s1 =	simm.s32 $0xEC00;
	s4 =	simm.s32 $0x0;
	[dreg:$0xc] =	wrdreg s24  }
0x17: {  	s0 =	sadd.s32 $0x1FC00, s18;
	[dreg:$0x4] =	wrdreg s26;
	s26 =	simm.s32 $0x400  }
0x18: {  	v0 =	vlaneseq.u32;
	s24 =	simm.s32 $0x1400;
	s10 =	simm.s32 $0x3400;
	s21 =	simm.s32 $0x8C00  }
0x19: {  	v1 =	vshrl.u32 v0, $0x3;
	s22 =	simm.s32 $0xC400;
	s19 =	simm.s32 $0x5;
	s23 =	simm.s32 $0x6  }
0x1a: {  	vm0 =	vmmov $0xffff;
	v0 =	vand.u32 $0x7, v0;
	v1 =	vmul.u32 $0x8, v1;
	s20 =	simm.s32 $0x7;
	[dreg:$0xd] =	wrdreg s0;
	s0 =	simm.s32 $0xE400  }
.LBB2_1:
0x1b: {  	[dreg:$0xf] =	wrdreg s4  }
0x1c: {  	s18 =	rddreg [dreg:$0x5];
	s4 =	simm.s32 $0x11  }
0x1d: {  	[tilespmem:s3], [sflag:$0x11] =	stream.linear.gather [hbm4b:s18+s3], $0x400, $0x38;
	[tilespmem:$0x10400] =	vst v63  }
0x1e: {  	_ =	swait.ge [sflag:s4], $0x400  }
0x1f: {  	[sflag:s4] =	ssyncset.done $0x0  }
0x20: {  	[sflag:s4] =	ssyncadd.s32 $0xFFFFFC00  }
0x21: {  	v2 =	vld.msk [tilespmem:$0x0], $0xff;
	_ =	sdelay $0x4  }
0x22: {  	v3 =	vshll.u32 v2, $0x3  }
0x23: {  	v2 =	vand.u32 $0x7, v2;
	v3 =	vand.u32 $0xFFFFFFC0, v3  }
0x24: {  	v2 =	vor.u32 v2, v3  }
0x25: {  	v2 =	vperm.xlane v2, v0;
	_ =	sdelay $0x1  }
0x26: {  	v2 =	vadd.s32 v1, v2;
	_ =	sdelay $0x4  }
0x27: {  	[tilespmem:s26], [sflag:$0x1] =	stream.indirect_vreg.gather [hbm4b:s2+s3], $0x80, v2, vm0, $0xb8;
	[tilespmem:$0x10400] =	vst v63  }
0x28: {  	_ = 	snop  }
0x29: {  	[tilespmem:s13], [sflag:$0x1] =	stream.indirect_vreg.gather [hbm4b:s5+s3], $0x80, v2, vm0, $0xb8;
	[tilespmem:$0x10400] =	vst v63  }
0x2a: {  	_ = 	snop  }
0x2b: {  	[tilespmem:s24], [sflag:$0x1] =	stream.indirect_vreg.gather [hbm4b:s6+s3], $0x80, v2, vm0, $0xb8;
	[tilespmem:$0x10400] =	vst v63  }
0x2c: {  	_ = 	snop  }
0x2d: {  	[tilespmem:s25], [sflag:$0x1] =	stream.indirect_vreg.gather [hbm4b:s7+s3], $0x80, v2, vm0, $0xb8;
	[tilespmem:$0x10400] =	vst v63  }
0x2e: {  	v2 =	vld.msk [tilespmem:$0x8], $0xff;
	_ =	sdelay $0x4  }
0x2f: {  	v3 =	vshll.u32 v2, $0x3  }
0x30: {  	v2 =	vand.u32 $0x7, v2;
	v3 =	vand.u32 $0xFFFFFFC0, v3  }
0x31: {  	v2 =	vor.u32 v2, v3  }
0x32: {  	v2 =	vperm.xlane v2, v0;
	_ =	sdelay $0x1  }
0x33: {  	v2 =	vadd.s32 v1, v2;
	_ =	sdelay $0x4  }
0x34: {  	[tilespmem:s8], [sflag:$0x2] =	stream.indirect_vreg.gather [hbm4b:s2+s3], $0x80, v2, vm0, $0xb8;
	[tilespmem:$0x10400] =	vst v63  }
0x35: {  	_ = 	snop  }
0x36: {  	[tilespmem:s9], [sflag:$0x2] =	stream.indirect_vreg.gather [hbm4b:s5+s3], $0x80, v2, vm0, $0xb8;
	[tilespmem:$0x10400] =	vst v63  }
0x37: {  	_ = 	snop  }
0x38: {  	[tilespmem:s10], [sflag:$0x2] =	stream.indirect_vreg.gather [hbm4b:s6+s3], $0x80, v2, vm0, $0xb8;
	[tilespmem:$0x10400] =	vst v63  }
0x39: {  	_ = 	snop  }
0x3a: {  	[tilespmem:s11], [sflag:$0x2] =	stream.indirect_vreg.gather [hbm4b:s7+s3], $0x80, v2, vm0, $0xb8;
	[tilespmem:$0x10400] =	vst v63  }
0x3b: {  	v2 =	vld.msk [tilespmem:$0x10], $0xff;
	_ =	sdelay $0x4  }
0x3c: {  	v3 =	vshll.u32 v2, $0x3  }
0x3d: {  	v2 =	vand.u32 $0x7, v2;
	v3 =	vand.u32 $0xFFFFFFC0, v3  }
0x3e: {  	v2 =	vor.u32 v2, v3  }
0x3f: {  	v2 =	vperm.xlane v2, v0;
	_ =	sdelay $0x1  }
0x40: {  	v2 =	vadd.s32 v1, v2;
	_ =	sdelay $0x4  }
0x41: {  	[tilespmem:s12], [sflag:$0x3] =	stream.indirect_vreg.gather [hbm4b:s2+s3], $0x80, v2, vm0, $0xb8;
	[tilespmem:$0x10400] =	vst v63  }
0x42: {  	s9 =	simm.s32 $0x4C00  }
0x43: {  	[tilespmem:s9], [sflag:$0x3] =	stream.indirect_vreg.gather [hbm4b:s5+s3], $0x80, v2, vm0, $0xb8;
	[tilespmem:$0x10400] =	vst v63  }
0x44: {  	s10 =	simm.s32 $0x5400  }
0x45: {  	[tilespmem:s10], [sflag:$0x3] =	stream.indirect_vreg.gather [hbm4b:s6+s3], $0x80, v2, vm0, $0xb8;
	[tilespmem:$0x10400] =	vst v63  }
0x46: {  	s11 =	simm.s32 $0x5C00  }
0x47: {  	[tilespmem:s11], [sflag:$0x3] =	stream.indirect_vreg.gather [hbm4b:s7+s3], $0x80, v2, vm0, $0xb8;
	[tilespmem:$0x10400] =	vst v63  }
0x48: {  	v2 =	vld.msk [tilespmem:$0x18], $0xff;
	_ =	sdelay $0x4  }
0x49: {  	v3 =	vshll.u32 v2, $0x3  }
0x4a: {  	v2 =	vand.u32 $0x7, v2;
	v3 =	vand.u32 $0xFFFFFFC0, v3  }
0x4b: {  	v2 =	vor.u32 v2, v3  }
0x4c: {  	v2 =	vperm.xlane v2, v0;
	_ =	sdelay $0x1  }
0x4d: {  	v2 =	vadd.s32 v1, v2;
	_ =	sdelay $0x4  }
0x4e: {  	[tilespmem:s31], [sflag:$0x4] =	stream.indirect_vreg.gather [hbm4b:s2+s3], $0x80, v2, vm0, $0xb8;
	[tilespmem:$0x10400] =	vst v63  }
0x4f: {  	s12 =	simm.s32 $0x6C00  }
0x50: {  	[tilespmem:s12], [sflag:$0x4] =	stream.indirect_vreg.gather [hbm4b:s5+s3], $0x80, v2, vm0, $0xb8;
	[tilespmem:$0x10400] =	vst v63  }
0x51: {  	s13 =	simm.s32 $0x7400  }
0x52: {  	[tilespmem:s13], [sflag:$0x4] =	stream.indirect_vreg.gather [hbm4b:s6+s3], $0x80, v2, vm0, $0xb8;
	[tilespmem:$0x10400] =	vst v63  }
0x53: {  	s18 =	simm.s32 $0x7C00  }
0x54: {  	[tilespmem:s18], [sflag:$0x4] =	stream.indirect_vreg.gather [hbm4b:s7+s3], $0x80, v2, vm0, $0xb8;
	[tilespmem:$0x10400] =	vst v63  }
0x55: {  	v2 =	vld.msk [tilespmem:$0x20], $0xff;
	_ =	sdelay $0x4  }
0x56: {  	v3 =	vshll.u32 v2, $0x3  }
0x57: {  	v2 =	vand.u32 $0x7, v2;
	v3 =	vand.u32 $0xFFFFFFC0, v3  }
0x58: {  	v2 =	vor.u32 v2, v3  }
0x59: {  	v2 =	vperm.xlane v2, v0;
	_ =	sdelay $0x1  }
0x5a: {  	v2 =	vadd.s32 v1, v2;
	_ =	sdelay $0x4  }
0x5b: {  	[tilespmem:s16], [sflag:$0x5] =	stream.indirect_vreg.gather [hbm4b:s2+s3], $0x80, v2, vm0, $0xb8;
	[tilespmem:$0x10400] =	vst v63  }
0x5c: {  	_ = 	snop  }
0x5d: {  	[tilespmem:s21], [sflag:$0x5] =	stream.indirect_vreg.gather [hbm4b:s5+s3], $0x80, v2, vm0, $0xb8;
	[tilespmem:$0x10400] =	vst v63  }
0x5e: {  	s21 =	simm.s32 $0x9400  }
0x5f: {  	[tilespmem:s21], [sflag:$0x5] =	stream.indirect_vreg.gather [hbm4b:s6+s3], $0x80, v2, vm0, $0xb8;
	[tilespmem:$0x10400] =	vst v63  }
0x60: {  	s24 =	simm.s32 $0x9C00  }
0x61: {  	[tilespmem:s24], [sflag:$0x5] =	stream.indirect_vreg.gather [hbm4b:s7+s3], $0x80, v2, vm0, $0xb8;
	[tilespmem:$0x10400] =	vst v63  }
0x62: {  	v2 =	vld.msk [tilespmem:$0x28], $0xff;
	_ =	sdelay $0x4  }
0x63: {  	v3 =	vshll.u32 v2, $0x3  }
0x64: {  	v2 =	vand.u32 $0x7, v2;
	v3 =	vand.u32 $0xFFFFFFC0, v3  }
0x65: {  	v2 =	vor.u32 v2, v3  }
0x66: {  	v2 =	vperm.xlane v2, v0;
	_ =	sdelay $0x1  }
0x67: {  	v2 =	vadd.s32 v1, v2;
	_ =	sdelay $0x4  }
0x68: {  	[tilespmem:s28], [sflag:$0x6] =	stream.indirect_vreg.gather [hbm4b:s2+s3], $0x80, v2, vm0, $0xb8;
	[tilespmem:$0x10400] =	vst v63  }
0x69: {  	_ = 	snop  }
0x6a: {  	[tilespmem:s29], [sflag:$0x6] =	stream.indirect_vreg.gather [hbm4b:s5+s3], $0x80, v2, vm0, $0xb8;
	[tilespmem:$0x10400] =	vst v63  }
0x6b: {  	s25 =	simm.s32 $0xB400  }
0x6c: {  	[tilespmem:s25], [sflag:$0x6] =	stream.indirect_vreg.gather [hbm4b:s6+s3], $0x80, v2, vm0, $0xb8;
	[tilespmem:$0x10400] =	vst v63  }
0x6d: {  	s26 =	simm.s32 $0xBC00  }
0x6e: {  	[tilespmem:s26], [sflag:$0x6] =	stream.indirect_vreg.gather [hbm4b:s7+s3], $0x80, v2, vm0, $0xb8;
	[tilespmem:$0x10400] =	vst v63  }
0x6f: {  	v2 =	vld.msk [tilespmem:$0x30], $0xff;
	_ =	sdelay $0x4  }
0x70: {  	v3 =	vshll.u32 v2, $0x3  }
0x71: {  	v2 =	vand.u32 $0x7, v2;
	v3 =	vand.u32 $0xFFFFFFC0, v3  }
0x72: {  	v2 =	vor.u32 v2, v3  }
0x73: {  	v2 =	vperm.xlane v2, v0;
	_ =	sdelay $0x1  }
0x74: {  	v2 =	vadd.s32 v1, v2;
	_ =	sdelay $0x4  }
0x75: {  	[tilespmem:s22], [sflag:$0x7] =	stream.indirect_vreg.gather [hbm4b:s2+s3], $0x80, v2, vm0, $0xb8;
	[tilespmem:$0x10400] =	vst v63  }
0x76: {  	_ = 	snop  }
0x77: {  	[tilespmem:s30], [sflag:$0x7] =	stream.indirect_vreg.gather [hbm4b:s5+s3], $0x80, v2, vm0, $0xb8;
	[tilespmem:$0x10400] =	vst v63  }
0x78: {  	s28 =	simm.s32 $0xD400  }
0x79: {  	[tilespmem:s28], [sflag:$0x7] =	stream.indirect_vreg.gather [hbm4b:s6+s3], $0x80, v2, vm0, $0xb8;
	[tilespmem:$0x10400] =	vst v63  }
0x7a: {  	s29 =	simm.s32 $0xDC00  }
0x7b: {  	[tilespmem:s29], [sflag:$0x7] =	stream.indirect_vreg.gather [hbm4b:s7+s3], $0x80, v2, vm0, $0xb8;
	[tilespmem:$0x10400] =	vst v63  }
0x7c: {  	v2 =	vld.msk [tilespmem:$0x38], $0xff;
	_ =	sdelay $0x4  }
0x7d: {  	v3 =	vshll.u32 v2, $0x3  }
0x7e: {  	v2 =	vand.u32 $0x7, v2;
	v3 =	vand.u32 $0xFFFFFFC0, v3  }
0x7f: {  	v2 =	vor.u32 v2, v3  }
0x80: {  	v2 =	vperm.xlane v2, v0;
	_ =	sdelay $0x1  }
0x81: {  	v2 =	vadd.s32 v1, v2;
	_ =	sdelay $0x4  }
0x82: {  	[tilespmem:s0], [sflag:$0x8] =	stream.indirect_vreg.gather [hbm4b:s2+s3], $0x80, v2, vm0, $0xb8;
	[tilespmem:$0x10400] =	vst v63  }
0x83: {  	s4 =	simm.s32 $0x1;
	s9 =	simm.s32 $0x9;
	s10 =	simm.s32 $0x2  }
0x84: {  	[tilespmem:s1], [sflag:$0x8] =	stream.indirect_vreg.gather [hbm4b:s5+s3], $0x80, v2, vm0, $0xb8;
	[tilespmem:$0x10400] =	vst v63  }
0x85: {  	s11 =	simm.s32 $0xA;
	s31 =	simm.s32 $0xFC00;
	s30 =	simm.s32 $0xF400  }
0x86: {  	[tilespmem:s30], [sflag:$0x8] =	stream.indirect_vreg.gather [hbm4b:s6+s3], $0x80, v2, vm0, $0xb8;
	[tilespmem:$0x10400] =	vst v63  }
0x87: {  	s13 =	simm.s32 $0x3;
	s24 =	simm.s32 $0x78;
	s25 =	simm.s32 $0x0  }
0x88: {  	[tilespmem:s31], [sflag:$0x8] =	stream.indirect_vreg.gather [hbm4b:s7+s3], $0x80, v2, vm0, $0xb8;
	[tilespmem:$0x10400] =	vst v63  }
.LBB2_2:
0x89: {  	_ =	swait.ge [sflag:s4], $0x2000  }
0x8a: {  	s18 =	rddreg [dreg:$0x4];
	[sflag:s4] =	ssyncset.done $0x0  }
0x8b: {  	s22 =	simm.s32 $0x400;
	[sflag:s4] =	ssyncadd.s32 $0xFFFFE000;
	s18 =	sadd.s32 s25, s18  }
0x8c: {  	[hbm4b:s18+s3] =	stream.linear.scatter [tilespmem:s22], [sflag:$0x9], $0x2000, $0x38;
	[tilespmem:$0x10400] =	vst v63  }
0x8d: {  	_ =	swait.ge [sflag:s9], $0x2000  }
0x8e: {  	[sflag:s9] =	ssyncset.done $0x0  }
0x8f: {  	[sflag:s9] =	ssyncadd.s32 $0xFFFFE000  }
0x90: {  	v2 =	vld.msk [tilespmem:s24+$0xFFFFFFC8], $0xff;
	_ =	sdelay $0x4  }
0x91: {  	v3 =	vshll.u32 v2, $0x3  }
0x92: {  	v2 =	vand.u32 $0x7, v2;
	v3 =	vand.u32 $0xFFFFFFC0, v3  }
0x93: {  	v2 =	vor.u32 v2, v3  }
0x94: {  	v2 =	vperm.xlane v2, v0;
	_ =	sdelay $0x1  }
0x95: {  	v2 =	vadd.s32 v1, v2;
	_ =	sdelay $0x4  }
0x96: {  	[tilespmem:s22], [sflag:$0x1] =	stream.indirect_vreg.gather [hbm4b:s2+s3], $0x80, v2, vm0, $0xb8;
	[tilespmem:$0x10400] =	vst v63  }
0x97: {  	s0 =	simm.s32 $0xC00  }
0x98: {  	[tilespmem:s0], [sflag:$0x1] =	stream.indirect_vreg.gather [hbm4b:s5+s3], $0x80, v2, vm0, $0xb8;
	[tilespmem:$0x10400] =	vst v63  }
0x99: {  	s8 =	simm.s32 $0x1400  }
0x9a: {  	[tilespmem:s8], [sflag:$0x1] =	stream.indirect_vreg.gather [hbm4b:s6+s3], $0x80, v2, vm0, $0xb8;
	[tilespmem:$0x10400] =	vst v63  }
0x9b: {  	s12 =	simm.s32 $0x1C00  }
0x9c: {  	[tilespmem:s12], [sflag:$0x1] =	stream.indirect_vreg.gather [hbm4b:s7+s3], $0x80, v2, vm0, $0xb8;
	[tilespmem:$0x10400] =	vst v63  }
0x9d: {  	_ =	swait.ge [sflag:s10], $0x2000  }
0x9e: {  	[sflag:s10] =	ssyncset.done $0x0  }
0x9f: {  	s16 =	sadd.s32 $0x400, s18;
	s12 =	simm.s32 $0x2400;
	[sflag:s10] =	ssyncadd.s32 $0xFFFFE000  }
0xa0: {  	[hbm4b:s16+s3] =	stream.linear.scatter [tilespmem:s12], [sflag:$0xA], $0x2000, $0x38;
	[tilespmem:$0x10400] =	vst v63  }
0xa1: {  	_ =	swait.ge [sflag:s11], $0x2000  }
0xa2: {  	[sflag:s11] =	ssyncset.done $0x0  }
0xa3: {  	[sflag:s11] =	ssyncadd.s32 $0xFFFFE000  }
0xa4: {  	v2 =	vld.msk [tilespmem:s24+$0xFFFFFFD0], $0xff;
	_ =	sdelay $0x4  }
0xa5: {  	v3 =	vshll.u32 v2, $0x3  }
0xa6: {  	v2 =	vand.u32 $0x7, v2;
	v3 =	vand.u32 $0xFFFFFFC0, v3  }
0xa7: {  	v2 =	vor.u32 v2, v3  }
0xa8: {  	v2 =	vperm.xlane v2, v0;
	_ =	sdelay $0x1  }
0xa9: {  	v2 =	vadd.s32 v1, v2;
	_ =	sdelay $0x4  }
0xaa: {  	[tilespmem:s12], [sflag:$0x2] =	stream.indirect_vreg.gather [hbm4b:s2+s3], $0x80, v2, vm0, $0xb8;
	[tilespmem:$0x10400] =	vst v63  }
0xab: {  	s21 =	simm.s32 $0x2C00  }
0xac: {  	[tilespmem:s21], [sflag:$0x2] =	stream.indirect_vreg.gather [hbm4b:s5+s3], $0x80, v2, vm0, $0xb8;
	[tilespmem:$0x10400] =	vst v63  }
0xad: {  	s22 =	simm.s32 $0x3400  }
0xae: {  	[tilespmem:s22], [sflag:$0x2] =	stream.indirect_vreg.gather [hbm4b:s6+s3], $0x80, v2, vm0, $0xb8;
	[tilespmem:$0x10400] =	vst v63  }
0xaf: {  	s1 =	simm.s32 $0x3C00  }
0xb0: {  	[tilespmem:s1], [sflag:$0x2] =	stream.indirect_vreg.gather [hbm4b:s7+s3], $0x80, v2, vm0, $0xb8;
	[tilespmem:$0x10400] =	vst v63  }
0xb1: {  	_ =	swait.ge [sflag:s13], $0x2000  }
0xb2: {  	[sflag:s13] =	ssyncset.done $0x0  }
0xb3: {  	s31 =	simm.s32 $0x4400;
	s12 =	sadd.s32 $0x800, s18;
	[sflag:s13] =	ssyncadd.s32 $0xFFFFE000  }
0xb4: {  	[hbm4b:s12+s3] =	stream.linear.scatter [tilespmem:s31], [sflag:$0xB], $0x2000, $0x38;
	[tilespmem:$0x10400] =	vst v63  }
0xb5: {  	_ =	swait.ge [sflag:s14], $0x2000  }
0xb6: {  	[sflag:s14] =	ssyncset.done $0x0  }
0xb7: {  	[sflag:s14] =	ssyncadd.s32 $0xFFFFE000  }
0xb8: {  	v2 =	vld.msk [tilespmem:s24+$0xFFFFFFD8], $0xff;
	_ =	sdelay $0x4  }
0xb9: {  	v3 =	vshll.u32 v2, $0x3  }
0xba: {  	v2 =	vand.u32 $0x7, v2;
	v3 =	vand.u32 $0xFFFFFFC0, v3  }
0xbb: {  	v2 =	vor.u32 v2, v3  }
0xbc: {  	v2 =	vperm.xlane v2, v0;
	_ =	sdelay $0x1  }
0xbd: {  	v2 =	vadd.s32 v1, v2;
	_ =	sdelay $0x4  }
0xbe: {  	[tilespmem:s31], [sflag:$0x3] =	stream.indirect_vreg.gather [hbm4b:s2+s3], $0x80, v2, vm0, $0xb8;
	[tilespmem:$0x10400] =	vst v63  }
0xbf: {  	s16 =	simm.s32 $0x4C00  }
0xc0: {  	[tilespmem:s16], [sflag:$0x3] =	stream.indirect_vreg.gather [hbm4b:s5+s3], $0x80, v2, vm0, $0xb8;
	[tilespmem:$0x10400] =	vst v63  }
0xc1: {  	s21 =	simm.s32 $0x5400  }
0xc2: {  	[tilespmem:s21], [sflag:$0x3] =	stream.indirect_vreg.gather [hbm4b:s6+s3], $0x80, v2, vm0, $0xb8;
	[tilespmem:$0x10400] =	vst v63  }
0xc3: {  	s22 =	simm.s32 $0x5C00  }
0xc4: {  	[tilespmem:s22], [sflag:$0x3] =	stream.indirect_vreg.gather [hbm4b:s7+s3], $0x80, v2, vm0, $0xb8;
	[tilespmem:$0x10400] =	vst v63  }
0xc5: {  	_ =	swait.ge [sflag:s15], $0x2000  }
0xc6: {  	s0 =	sadd.s32 $0xC00, s18;
	[sflag:s15] =	ssyncset.done $0x0  }
0xc7: {  	s1 =	simm.s32 $0xC;
	s16 =	simm.s32 $0x6400;
	[sflag:s15] =	ssyncadd.s32 $0xFFFFE000  }
0xc8: {  	[hbm4b:s0+s3] =	stream.linear.scatter [tilespmem:s16], [sflag:$0xC], $0x2000, $0x38;
	[tilespmem:$0x10400] =	vst v63  }
0xc9: {  	_ =	swait.ge [sflag:s1], $0x2000  }
0xca: {  	[sflag:s1] =	ssyncset.done $0x0  }
0xcb: {  	[sflag:s1] =	ssyncadd.s32 $0xFFFFE000  }
0xcc: {  	v2 =	vld.msk [tilespmem:s24+$0xFFFFFFE0], $0xff;
	_ =	sdelay $0x4  }
0xcd: {  	v3 =	vshll.u32 v2, $0x3  }
0xce: {  	v2 =	vand.u32 $0x7, v2;
	v3 =	vand.u32 $0xFFFFFFC0, v3  }
0xcf: {  	v2 =	vor.u32 v2, v3  }
0xd0: {  	v2 =	vperm.xlane v2, v0;
	_ =	sdelay $0x1  }
0xd1: {  	v2 =	vadd.s32 v1, v2;
	_ =	sdelay $0x4  }
0xd2: {  	[tilespmem:s16], [sflag:$0x4] =	stream.indirect_vreg.gather [hbm4b:s2+s3], $0x80, v2, vm0, $0xb8;
	[tilespmem:$0x10400] =	vst v63  }
0xd3: {  	s21 =	simm.s32 $0x6C00  }
0xd4: {  	[tilespmem:s21], [sflag:$0x4] =	stream.indirect_vreg.gather [hbm4b:s5+s3], $0x80, v2, vm0, $0xb8;
	[tilespmem:$0x10400] =	vst v63  }
0xd5: {  	s22 =	simm.s32 $0x7400  }
0xd6: {  	[tilespmem:s22], [sflag:$0x4] =	stream.indirect_vreg.gather [hbm4b:s6+s3], $0x80, v2, vm0, $0xb8;
	[tilespmem:$0x10400] =	vst v63  }
0xd7: {  	s1 =	simm.s32 $0x7C00  }
0xd8: {  	[tilespmem:s1], [sflag:$0x4] =	stream.indirect_vreg.gather [hbm4b:s7+s3], $0x80, v2, vm0, $0xb8;
	[tilespmem:$0x10400] =	vst v63  }
0xd9: {  	_ =	swait.ge [sflag:s19], $0x2000  }
0xda: {  	s16 =	sadd.s32 $0x1000, s18;
	[sflag:s19] =	ssyncset.done $0x0  }
0xdb: {  	s21 =	simm.s32 $0x8400;
	s22 =	simm.s32 $0xD;
	[sflag:s19] =	ssyncadd.s32 $0xFFFFE000  }
0xdc: {  	[hbm4b:s16+s3] =	stream.linear.scatter [tilespmem:s21], [sflag:$0xD], $0x2000, $0x38;
	[tilespmem:$0x10400] =	vst v63  }
0xdd: {  	_ =	swait.ge [sflag:s22], $0x2000  }
0xde: {  	[sflag:s22] =	ssyncset.done $0x0  }
0xdf: {  	[sflag:s22] =	ssyncadd.s32 $0xFFFFE000  }
0xe0: {  	v2 =	vld.msk [tilespmem:s24+$0xFFFFFFE8], $0xff;
	_ =	sdelay $0x4  }
0xe1: {  	v3 =	vshll.u32 v2, $0x3  }
0xe2: {  	v2 =	vand.u32 $0x7, v2;
	v3 =	vand.u32 $0xFFFFFFC0, v3  }
0xe3: {  	v2 =	vor.u32 v2, v3  }
0xe4: {  	v2 =	vperm.xlane v2, v0;
	_ =	sdelay $0x1  }
0xe5: {  	v2 =	vadd.s32 v1, v2;
	_ =	sdelay $0x4  }
0xe6: {  	[tilespmem:s21], [sflag:$0x5] =	stream.indirect_vreg.gather [hbm4b:s2+s3], $0x80, v2, vm0, $0xb8;
	[tilespmem:$0x10400] =	vst v63  }
0xe7: {  	s21 =	simm.s32 $0x8C00  }
0xe8: {  	[tilespmem:s21], [sflag:$0x5] =	stream.indirect_vreg.gather [hbm4b:s5+s3], $0x80, v2, vm0, $0xb8;
	[tilespmem:$0x10400] =	vst v63  }
0xe9: {  	s1 =	simm.s32 $0x9400  }
0xea: {  	[tilespmem:s1], [sflag:$0x5] =	stream.indirect_vreg.gather [hbm4b:s6+s3], $0x80, v2, vm0, $0xb8;
	[tilespmem:$0x10400] =	vst v63  }
0xeb: {  	s22 =	simm.s32 $0x9C00  }
0xec: {  	[tilespmem:s22], [sflag:$0x5] =	stream.indirect_vreg.gather [hbm4b:s7+s3], $0x80, v2, vm0, $0xb8;
	[tilespmem:$0x10400] =	vst v63  }
0xed: {  	_ =	swait.ge [sflag:s23], $0x2000  }
0xee: {  	s29 =	simm.s32 $0xA400;
	[sflag:s23] =	ssyncset.done $0x0  }
0xef: {  	s1 =	sadd.s32 $0x1400, s18;
	s22 =	simm.s32 $0xE;
	[sflag:s23] =	ssyncadd.s32 $0xFFFFE000  }
0xf0: {  	[hbm4b:s1+s3] =	stream.linear.scatter [tilespmem:s29], [sflag:$0xE], $0x2000, $0x38;
	[tilespmem:$0x10400] =	vst v63  }
0xf1: {  	_ =	swait.ge [sflag:s22], $0x2000  }
0xf2: {  	[sflag:s22] =	ssyncset.done $0x0  }
0xf3: {  	[sflag:s22] =	ssyncadd.s32 $0xFFFFE000  }
0xf4: {  	v2 =	vld.msk [tilespmem:s24+$0xFFFFFFF0], $0xff;
	_ =	sdelay $0x4  }
0xf5: {  	v3 =	vshll.u32 v2, $0x3  }
0xf6: {  	v2 =	vand.u32 $0x7, v2;
	v3 =	vand.u32 $0xFFFFFFC0, v3  }
0xf7: {  	v2 =	vor.u32 v2, v3  }
0xf8: {  	v2 =	vperm.xlane v2, v0;
	_ =	sdelay $0x1  }
0xf9: {  	v2 =	vadd.s32 v1, v2;
	_ =	sdelay $0x4  }
0xfa: {  	[tilespmem:s29], [sflag:$0x6] =	stream.indirect_vreg.gather [hbm4b:s2+s3], $0x80, v2, vm0, $0xb8;
	[tilespmem:$0x10400] =	vst v63  }
0xfb: {  	s29 =	simm.s32 $0xAC00  }
0xfc: {  	[tilespmem:s29], [sflag:$0x6] =	stream.indirect_vreg.gather [hbm4b:s5+s3], $0x80, v2, vm0, $0xb8;
	[tilespmem:$0x10400] =	vst v63  }
0xfd: {  	s1 =	simm.s32 $0xB400  }
0xfe: {  	[tilespmem:s1], [sflag:$0x6] =	stream.indirect_vreg.gather [hbm4b:s6+s3], $0x80, v2, vm0, $0xb8;
	[tilespmem:$0x10400] =	vst v63  }
0xff: {  	s22 =	simm.s32 $0xBC00  }
0x100: {  	[tilespmem:s22], [sflag:$0x6] =	stream.indirect_vreg.gather [hbm4b:s7+s3], $0x80, v2, vm0, $0xb8;
	[tilespmem:$0x10400] =	vst v63  }
0x101: {  	_ =	swait.ge [sflag:s20], $0x2000  }
0x102: {  	s30 =	simm.s32 $0xC400;
	[sflag:s20] =	ssyncset.done $0x0  }
0x103: {  	s1 =	sadd.s32 $0x1800, s18;
	s22 =	simm.s32 $0xF;
	[sflag:s20] =	ssyncadd.s32 $0xFFFFE000  }
0x104: {  	[hbm4b:s1+s3] =	stream.linear.scatter [tilespmem:s30], [sflag:$0xF], $0x2000, $0x38;
	[tilespmem:$0x10400] =	vst v63  }
0x105: {  	_ =	swait.ge [sflag:s22], $0x2000  }
0x106: {  	[sflag:s22] =	ssyncset.done $0x0  }
0x107: {  	[sflag:s22] =	ssyncadd.s32 $0xFFFFE000  }
0x108: {  	v2 =	vld.msk [tilespmem:s24+$0xFFFFFFF8], $0xff;
	_ =	sdelay $0x4  }
0x109: {  	v3 =	vshll.u32 v2, $0x3  }
0x10a: {  	v2 =	vand.u32 $0x7, v2;
	v3 =	vand.u32 $0xFFFFFFC0, v3  }
0x10b: {  	v2 =	vor.u32 v2, v3  }
0x10c: {  	v2 =	vperm.xlane v2, v0;
	_ =	sdelay $0x1  }
0x10d: {  	v2 =	vadd.s32 v1, v2;
	_ =	sdelay $0x4  }
0x10e: {  	[tilespmem:s30], [sflag:$0x7] =	stream.indirect_vreg.gather [hbm4b:s2+s3], $0x80, v2, vm0, $0xb8;
	[tilespmem:$0x10400] =	vst v63  }
0x10f: {  	s30 =	simm.s32 $0xCC00  }
0x110: {  	[tilespmem:s30], [sflag:$0x7] =	stream.indirect_vreg.gather [hbm4b:s5+s3], $0x80, v2, vm0, $0xb8;
	[tilespmem:$0x10400] =	vst v63  }
0x111: {  	s1 =	simm.s32 $0xD400  }
0x112: {  	[tilespmem:s1], [sflag:$0x7] =	stream.indirect_vreg.gather [hbm4b:s6+s3], $0x80, v2, vm0, $0xb8;
	[tilespmem:$0x10400] =	vst v63  }
0x113: {  	s1 =	simm.s32 $0xDC00  }
0x114: {  	[tilespmem:s1], [sflag:$0x7] =	stream.indirect_vreg.gather [hbm4b:s7+s3], $0x80, v2, vm0, $0xb8;
	[tilespmem:$0x10400] =	vst v63  }
0x115: {  	_ =	swait.ge [sflag:s17], $0x2000  }
0x116: {  	[sflag:s17] =	ssyncset.done $0x0  }
0x117: {  	s18 =	sadd.s32 $0x1C00, s18;
	s1 =	simm.s32 $0xE400;
	[sflag:s17] =	ssyncadd.s32 $0xFFFFE000  }
0x118: {  	[hbm4b:s18+s3] =	stream.linear.scatter [tilespmem:s1], [sflag:$0x10], $0x2000, $0x38;
	[tilespmem:$0x10400] =	vst v63  }
0x119: {  	s18 =	simm.s32 $0x10  }
0x11a: {  	_ =	swait.ge [sflag:s18], $0x2000  }
0x11b: {  	[sflag:s18] =	ssyncset.done $0x0  }
0x11c: {  	[sflag:s18] =	ssyncadd.s32 $0xFFFFE000  }
0x11d: {  	v2 =	vld.msk [tilespmem:s24+$0x0], $0xff;
	_ =	sdelay $0x4  }
0x11e: {  	v3 =	vshll.u32 v2, $0x3  }
0x11f: {  	v2 =	vand.u32 $0x7, v2;
	v3 =	vand.u32 $0xFFFFFFC0, v3  }
0x120: {  	v2 =	vor.u32 v2, v3  }
0x121: {  	v2 =	vperm.xlane v2, v0;
	_ =	sdelay $0x1  }
0x122: {  	v2 =	vadd.s32 v1, v2;
	_ =	sdelay $0x3  }
0x123: {  	s26 =	simm.s32 $0x400;
	s28 =	simm.s32 $0xA400;
	p0 =	sne.s32 s25, $0x1C000  }
0x124: {  	[tilespmem:s1], [sflag:$0x8] =	stream.indirect_vreg.gather [hbm4b:s2+s3], $0x80, v2, vm0, $0xb8;
	[tilespmem:$0x10400] =	vst v63  }
0x125: {  	s25 =	sadd.s32 $0x2000, s25;
	s8 =	simm.s32 $0x2400;
	s1 =	simm.s32 $0xEC00  }
0x126: {  	[tilespmem:s1], [sflag:$0x8] =	stream.indirect_vreg.gather [hbm4b:s5+s3], $0x80, v2, vm0, $0xb8;
	[tilespmem:$0x10400] =	vst v63  }
.Ltmp0:
0x127: {  	s12 =	simm.s32 $0x4400;
	s31 =	simm.s32 $0x6400;
	(pc) =	sbr.rel @p0 .LBB2_2-.Ltmp0, $4  }
0x128: {  	s0 =	simm.s32 $0xE400;
	s16 =	simm.s32 $0x8400;
	s18 =	simm.s32 $0xF400  }
0x129: {  	[tilespmem:s18], [sflag:$0x8] =	stream.indirect_vreg.gather [hbm4b:s6+s3], $0x80, v2, vm0, $0xb8;
	[tilespmem:$0x10400] =	vst v63  }
0x12a: {  	s22 =	simm.s32 $0xC400;
	s24 =	sadd.s32 $0x40, s24;
	s18 =	simm.s32 $0xFC00  }
0x12b: {  	[tilespmem:s18], [sflag:$0x8] =	stream.indirect_vreg.gather [hbm4b:s7+s3], $0x80, v2, vm0, $0xb8;
	[tilespmem:$0x10400] =	vst v63  }
0x12c: {  	_ =	swait.ge [sflag:s4], $0x2000  }
0x12d: {  	[sflag:s4] =	ssyncset.done $0x0  }
0x12e: {  	s18 =	rddreg [dreg:$0x6];
	[sflag:s4] =	ssyncadd.s32 $0xFFFFE000  }
0x12f: {  	[hbm4b:s18+s3] =	stream.linear.scatter [tilespmem:s26], [sflag:$0x9], $0x2000, $0x38;
	[tilespmem:$0x10400] =	vst v63  }
0x130: {  	_ =	swait.ge [sflag:s10], $0x2000  }
0x131: {  	[sflag:s10] =	ssyncset.done $0x0  }
0x132: {  	[sflag:s10] =	ssyncadd.s32 $0xFFFFE000;
	s10 =	rddreg [dreg:$0x7]  }
0x133: {  	[hbm4b:s10+s3] =	stream.linear.scatter [tilespmem:s8], [sflag:$0xA], $0x2000, $0x38;
	[tilespmem:$0x10400] =	vst v63  }
0x134: {  	_ =	swait.ge [sflag:s13], $0x2000  }
0x135: {  	[sflag:s13] =	ssyncset.done $0x0  }
0x136: {  	s24 =	rddreg [dreg:$0x8];
	[sflag:s13] =	ssyncadd.s32 $0xFFFFE000  }
0x137: {  	[hbm4b:s24+s3] =	stream.linear.scatter [tilespmem:s12], [sflag:$0xB], $0x2000, $0x38;
	[tilespmem:$0x10400] =	vst v63  }
0x138: {  	_ =	swait.ge [sflag:s15], $0x2000  }
0x139: {  	[sflag:s15] =	ssyncset.done $0x0  }
0x13a: {  	s25 =	rddreg [dreg:$0x9];
	[sflag:s15] =	ssyncadd.s32 $0xFFFFE000  }
0x13b: {  	[hbm4b:s25+s3] =	stream.linear.scatter [tilespmem:s31], [sflag:$0xC], $0x2000, $0x38;
	[tilespmem:$0x10400] =	vst v63  }
0x13c: {  	_ =	swait.ge [sflag:s19], $0x2000  }
0x13d: {  	[sflag:s19] =	ssyncset.done $0x0  }
0x13e: {  	s4 =	rddreg [dreg:$0xa];
	[sflag:s19] =	ssyncadd.s32 $0xFFFFE000  }
0x13f: {  	[hbm4b:s4+s3] =	stream.linear.scatter [tilespmem:s16], [sflag:$0xD], $0x2000, $0x38;
	[tilespmem:$0x10400] =	vst v63  }
0x140: {  	_ =	swait.ge [sflag:s23], $0x2000  }
0x141: {  	[sflag:s23] =	ssyncset.done $0x0  }
0x142: {  	s10 =	rddreg [dreg:$0xb];
	[sflag:s23] =	ssyncadd.s32 $0xFFFFE000  }
0x143: {  	[hbm4b:s10+s3] =	stream.linear.scatter [tilespmem:s28], [sflag:$0xE], $0x2000, $0x38;
	[tilespmem:$0x10400] =	vst v63  }
0x144: {  	_ =	swait.ge [sflag:s20], $0x2000  }
0x145: {  	[sflag:s20] =	ssyncset.done $0x0  }
0x146: {  	s13 =	rddreg [dreg:$0xc];
	[sflag:s20] =	ssyncadd.s32 $0xFFFFE000  }
0x147: {  	[hbm4b:s13+s3] =	stream.linear.scatter [tilespmem:s22], [sflag:$0xF], $0x2000, $0x38;
	[tilespmem:$0x10400] =	vst v63  }
0x148: {  	_ =	swait.ge [sflag:s17], $0x2000  }
0x149: {  	[sflag:s17] =	ssyncset.done $0x0  }
0x14a: {  	s24 =	rddreg [dreg:$0xd];
	[sflag:s17] =	ssyncadd.s32 $0xFFFFE000  }
0x14b: {  	[hbm4b:s24+s3] =	stream.linear.scatter [tilespmem:s0], [sflag:$0x10], $0x2000, $0x38;
	[tilespmem:$0x10400] =	vst v63  }
0x14c: {  	_ =	swait.ge [sflag:s9], $0x2000  }
0x14d: {  	[sflag:s9] =	ssyncset.done $0x0  }
0x14e: {  	[sflag:s9] =	ssyncadd.s32 $0xFFFFE000  }
0x14f: {  	_ =	swait.ge [sflag:s11], $0x2000  }
0x150: {  	[sflag:s11] =	ssyncset.done $0x0  }
0x151: {  	[sflag:s11] =	ssyncadd.s32 $0xFFFFE000  }
0x152: {  	_ =	swait.ge [sflag:s14], $0x2000  }
0x153: {  	[sflag:s14] =	ssyncset.done $0x0  }
0x154: {  	s25 =	simm.s32 $0xC;
	[sflag:s14] =	ssyncadd.s32 $0xFFFFE000  }
0x155: {  	_ =	swait.ge [sflag:s25], $0x2000  }
0x156: {  	[sflag:s25] =	ssyncset.done $0x0  }
0x157: {  	s9 =	simm.s32 $0xD;
	[sflag:s25] =	ssyncadd.s32 $0xFFFFE000  }
0x158: {  	_ =	swait.ge [sflag:s9], $0x2000  }
0x159: {  	[sflag:s9] =	ssyncset.done $0x0  }
0x15a: {  	s10 =	simm.s32 $0xE;
	[sflag:s9] =	ssyncadd.s32 $0xFFFFE000  }
0x15b: {  	_ =	swait.ge [sflag:s10], $0x2000  }
0x15c: {  	[sflag:s10] =	ssyncset.done $0x0  }
0x15d: {  	s11 =	simm.s32 $0xF;
	[sflag:s10] =	ssyncadd.s32 $0xFFFFE000  }
0x15e: {  	_ =	swait.ge [sflag:s11], $0x2000  }
0x15f: {  	[sflag:s11] =	ssyncset.done $0x0  }
0x160: {  	s13 =	simm.s32 $0x10;
	[sflag:s11] =	ssyncadd.s32 $0xFFFFE000  }
0x161: {  	_ =	swait.ge [sflag:s13], $0x2000  }
0x162: {  	s24 =	rddreg [dreg:$0xf]  }
0x163: {  	s25 =	rddreg [dreg:$0xe];
	s4 =	sadd.s32 $0x1, s24  }
0x164: {  	p0 =	sne.s32 s4, s25  }
.Ltmp1:
0x165: {  	_ = 	snop;
	(pc) =	sbr.rel @p0 .LBB2_1-.Ltmp1, $4  }
0x166: {  	_ = 	snop  }
0x167: {  	s9 =	simm.s32 $0x2C00;
	[sflag:s13] =	ssyncset.done $0x0  }
0x168: {  	s10 =	simm.s32 $0x3400;
	s11 =	simm.s32 $0x3C00;
	[sflag:s13] =	ssyncadd.s32 $0xFFFFE000  }
0x169: {  	s13 =	simm.s32 $0xC00;
	s24 =	simm.s32 $0x1400;
	s25 =	simm.s32 $0x1C00  }
0x16a: {  	_ =	sfence.sel $0x180000  }
0x16b: {  	[bflag:$0x0] =	sbarrier.arrive $0xFFFF  }
0x16c: {  	_ =	strace $0x90000047  }
0x16d: {  	s0 =	stileid.u32;
	[bflag:$0x2] =	sbarrier.arrive $0xFFFF  }
0x16e: {  	p0 =	sne.s32 s0, $0x0;
	s0 =	rddreg [dreg:$0x3]  }
0x16f: {  	s0 =	sadd.s32 @!p0 $0x100000, s0  }
0x170: {  	[sflag:s0] =	ssyncadd.tile.s32 @!p0 $0x1;
	_ =	shalt  }
.Lfunc_end2:
_tile_overlayer_lowered:
.L_overlay_start_2:
0x171: {  	(tag) =	ssettag $0x2  }
0x172: {  	s0 =	rddreg [dreg:$0x0];
	s2 =	stileid.u32  }
0x173: {  	s1 =	rddreg [dreg:$0x1];
	p0 =	sne.s32 s2, $0x0  }
0x174: {  	s3 =	rddreg [dreg:$0x2];
	[bflag:$0x3] =	sbarrier.arrive $0xFFFF;
	s2 =	simm.s32 @!p0 $0x1C11  }
0x175: {  	[timem:s3], [sflag:s2] =	dma.local @!p0 [hbm:s0], s1  }
0x176: {  	s0 =	simm.s32 @!p0 $0x11  }
0x177: {  	_ =	swait.ge @!p0 [sflag:s0], s1  }
0x178: {  	s1 =	ssub.s32 @!p0 $0x0, s1;
	[sflag:s0] =	ssyncset.done @!p0 $0x0  }
0x179: {  	[sflag:s0] =	ssyncadd.s32 @!p0 s1  }
0x17a: {  	[bflag:$0x3] =	sbarrier.arrive $0xFFFF  }
0x17b: {  	_ =	shalt  }

</sc_bundles>
